<compile_context>
chip_gen: v7x
topology: tpu7x:2x2x1
jax: 0.10.2.dev20260603
libtpu: 0.0.44.dev20260713+nightly
codegen_flags: <defaults>
</compile_context>

<pallas_src>
import functools

import jax
import jax.numpy as jnp
from jax import lax
from jax.experimental import pallas as pl
from jax.experimental.pallas import tpu as pltpu
from jax.experimental.pallas import tpu_sc as plsc

BATCH = 16384
HIST = 50
HIST_PAD = 56
EMBED_DIM = 64
PADDED_DIM = 128

NUM_WORKERS = 32
PER_WORKER = BATCH // NUM_WORKERS
NBUF = 8

_mesh = plsc.VectorSubcoreMesh(core_axis_name="c", subcore_axis_name="s")


@functools.partial(
    pl.kernel,
    mesh=_mesh,
    out_type=jax.ShapeDtypeStruct((BATCH, HIST_PAD, PADDED_DIM), jnp.float32),
    scratch_types=[pltpu.VMEM((PER_WORKER, HIST_PAD), jnp.int32)]
    + [pltpu.VMEM((HIST_PAD, PADDED_DIM), jnp.float32) for _ in range(NBUF)]
    + [pltpu.SemaphoreType.DMA for _ in range(NBUF)]
    + [pltpu.SemaphoreType.DMA for _ in range(NBUF)],
    compiler_params=pltpu.CompilerParams(use_tc_tiling_on_sc=False),
)
def _embed_gather(idx_hbm, table_hbm, out_hbm, idx_v, *bufs_and_sems):
    bufs = bufs_and_sems[:NBUF]
    gsems = bufs_and_sems[NBUF : 2 * NBUF]
    osems = bufs_and_sems[2 * NBUF :]
    wid = lax.axis_index("s") * 2 + lax.axis_index("c")
    base = wid * PER_WORKER
    half = NBUF // 2

    pltpu.sync_copy(idx_hbm.at[pl.ds(base, PER_WORKER)], idx_v)

    for b in range(NBUF):
        pltpu.async_copy(table_hbm.at[idx_v.at[b]], bufs[b], gsems[b])

    def body(j0, carry):
        for b in range(NBUF):
            j = j0 * NBUF + b
            pltpu.make_async_copy(
                table_hbm.at[idx_v.at[0]], bufs[b], gsems[b]
            ).wait()
            pltpu.async_copy(bufs[b], out_hbm.at[base + j], osems[b])
            jn = j + half
            bn = (b + half) % NBUF

            @pl.when(jnp.logical_and(j >= half, jn < PER_WORKER))
            def _():
                pltpu.make_async_copy(
                    bufs[bn], out_hbm.at[base], osems[bn]
                ).wait()
                pltpu.async_copy(table_hbm.at[idx_v.at[jn]], bufs[bn], gsems[bn])

        return carry

    lax.fori_loop(0, PER_WORKER // NBUF, body, 0)

    for b in range(NBUF):
        pltpu.make_async_copy(bufs[b], out_hbm.at[base], osems[b]).wait()


def kernel(item_inputs, item_embedding):
    fill = (
        jnp.arange(BATCH, dtype=jnp.int32)[:, None] * 61
        + jnp.arange(HIST_PAD - HIST, dtype=jnp.int32)[None, :]
    ) % 1000000
    idx = jnp.concatenate([item_inputs.astype(jnp.int32), fill], axis=1)
    tab = jnp.pad(item_embedding, ((0, 0), (0, PADDED_DIM - EMBED_DIM)))
    out = _embed_gather(idx, tab)
    return lax.slice(out, (0, 0, 0), (BATCH, HIST, EMBED_DIM))

# --- scband reference (transcript-rebuilt; emitter-appended) ---
"""Pipeline reference for scband-item-embedding-layer-86131274154490 (READ-ONLY COPY).

The authoritative reference and input builder live on the scoring server;
editing this copy changes nothing except your own understanding.
"""

import jax, jax.numpy as jnp
import numpy as np

NUM_ITEMS = 1000000
EMBED_DIM = 64
BATCH = 16384
HIST = 50

def setup_inputs(seed: int = 0) -> dict:
    key = jax.random.key(seed)
    k_idx, k_tab = jax.random.split(key)
    item_inputs = jax.random.randint(k_idx, (BATCH, HIST), 0, NUM_ITEMS, dtype=jnp.int64 if jax.config.jax_enable_x64 else jnp.int32)
    item_embedding = jax.random.normal(k_tab, (NUM_ITEMS, EMBED_DIM), dtype=jnp.float32)
    return {"item_inputs": item_inputs, "item_embedding": item_embedding}

def reference(item_inputs, item_embedding):
    # nn.Embedding forward: gather rows of the table
    item_embeds = jnp.take(item_embedding, item_inputs, axis=0)
    return item_embeds

if __name__ == "__main__":
    import jax
    _d = setup_inputs()
    print(jax.jit(kernel)(*tuple(_d.values())))

</pallas_src>

<mosaic_0001>
#map = affine_map<(d0, d1) -> (0, 0)>
#map1 = affine_map<(d0, d1) -> (0, 0, 0)>
module attributes {stable_mosaic.version = 14 : i64} {
  func.func @_embed_gather(%arg0: i32, %arg1: i32, %arg2: memref<16384x56xi32, #tpu.memory_space<hbm>>, %arg3: memref<1000000x128xf32, #tpu.memory_space<hbm>>, %arg4: memref<16384x56x128xf32, #tpu.memory_space<hbm>>, %arg5: memref<512x56xi32, #tpu.memory_space<vmem>>, %arg6: memref<56x128xf32, #tpu.memory_space<vmem>>, %arg7: memref<56x128xf32, #tpu.memory_space<vmem>>, %arg8: memref<56x128xf32, #tpu.memory_space<vmem>>, %arg9: memref<56x128xf32, #tpu.memory_space<vmem>>, %arg10: memref<56x128xf32, #tpu.memory_space<vmem>>, %arg11: memref<56x128xf32, #tpu.memory_space<vmem>>, %arg12: memref<56x128xf32, #tpu.memory_space<vmem>>, %arg13: memref<56x128xf32, #tpu.memory_space<vmem>>, %arg14: memref<!tpu.dma_semaphore, #tpu.memory_space<semaphore_mem>>, %arg15: memref<!tpu.dma_semaphore, #tpu.memory_space<semaphore_mem>>, %arg16: memref<!tpu.dma_semaphore, #tpu.memory_space<semaphore_mem>>, %arg17: memref<!tpu.dma_semaphore, #tpu.memory_space<semaphore_mem>>, %arg18: memref<!tpu.dma_semaphore, #tpu.memory_space<semaphore_mem>>, %arg19: memref<!tpu.dma_semaphore, #tpu.memory_space<semaphore_mem>>, %arg20: memref<!tpu.dma_semaphore, #tpu.memory_space<semaphore_mem>>, %arg21: memref<!tpu.dma_semaphore, #tpu.memory_space<semaphore_mem>>, %arg22: memref<!tpu.dma_semaphore, #tpu.memory_space<semaphore_mem>>, %arg23: memref<!tpu.dma_semaphore, #tpu.memory_space<semaphore_mem>>, %arg24: memref<!tpu.dma_semaphore, #tpu.memory_space<semaphore_mem>>, %arg25: memref<!tpu.dma_semaphore, #tpu.memory_space<semaphore_mem>>, %arg26: memref<!tpu.dma_semaphore, #tpu.memory_space<semaphore_mem>>, %arg27: memref<!tpu.dma_semaphore, #tpu.memory_space<semaphore_mem>>, %arg28: memref<!tpu.dma_semaphore, #tpu.memory_space<semaphore_mem>>, %arg29: memref<!tpu.dma_semaphore, #tpu.memory_space<semaphore_mem>>) attributes {dimension_semantics = [#tpu.dimension_semantics<core_parallel>, #tpu.dimension_semantics<subcore_parallel>], iteration_bounds = array<i64: 2, 16>, scalar_prefetch = 0 : i64, scratch_operands = 25 : i64, tpu.core_type = #tpu.core_type<sc_vector_subcore>, window_params = [{transform_indices = #map}, {transform_indices = #map}, {transform_indices = #map1}]} {
    %mul3A = arith.constant 2 : i32
    %mul3A_0 = arith.muli %arg1, %mul3A : i32
    %add3A = arith.addi %mul3A_0, %arg0 : i32
    %mul3A_1 = arith.constant 512 : i32
    %mul3A_2 = arith.muli %add3A, %mul3A_1 : i32
    "tpu.region"() ({
      %run_scoped3A = tpu.sem_alloc : memref<!tpu.dma_semaphore, #tpu.memory_space<semaphore_mem>>
      %dma_start3A_126 = arith.constant 0 : i32
      %dma_start3A_127 = tpu.memref_slice %arg2[%mul3A_2, %dma_start3A_126] : memref<16384x56xi32, #tpu.memory_space<hbm>> -> memref<512x56xi32, #tpu.memory_space<hbm>>
      %dma_start3A_128 = arith.constant 0 : i32
      %dma_start3A_129 = tpu.memref_slice %arg2[%mul3A_2, %dma_start3A_128] : memref<16384x56xi32, #tpu.memory_space<hbm>> -> memref<512x56xi32, #tpu.memory_space<hbm>>
      tpu.enqueue_dma source(%dma_start3A_129 : memref<512x56xi32, #tpu.memory_space<hbm>>) target(%arg5 : memref<512x56xi32, #tpu.memory_space<vmem>>) target_semaphore(%run_scoped3A : memref<!tpu.dma_semaphore, #tpu.memory_space<semaphore_mem>>)
      %dma_wait3A_130 = arith.constant 0 : i32
      %dma_wait3A_131 = tpu.memref_slice %arg2[%mul3A_2, %dma_wait3A_130] : memref<16384x56xi32, #tpu.memory_space<hbm>> -> memref<512x56xi32, #tpu.memory_space<hbm>>
      %dma_wait3A_132 = arith.constant 0 : i32
      %dma_wait3A_133 = tpu.memref_slice %arg2[%mul3A_2, %dma_wait3A_132] : memref<16384x56xi32, #tpu.memory_space<hbm>> -> memref<512x56xi32, #tpu.memory_space<hbm>>
      tpu.wait_dma2 semaphore(%run_scoped3A : memref<!tpu.dma_semaphore, #tpu.memory_space<semaphore_mem>>) src(%dma_wait3A_133 : memref<512x56xi32, #tpu.memory_space<hbm>>) dst(%arg5 : memref<512x56xi32, #tpu.memory_space<vmem>>)
      tpu.yield
    }) : () -> ()
    %dma_start3A = arith.constant 0 : i32
    %dma_start3A_3 = arith.constant 0 : i32
    %dma_start3A_4 = tpu.memref_slice %arg5[%dma_start3A, %dma_start3A_3] : memref<512x56xi32, #tpu.memory_space<vmem>> -> memref<1x56xi32, #tpu.memory_space<vmem>>
    %dma_start3A_5 = tpu.memref_squeeze %dma_start3A_4 : memref<1x56xi32, #tpu.memory_space<vmem>> -> memref<56xi32, #tpu.memory_space<vmem>>
    %dma_start3A_6 = arith.constant 0 : i32
    %dma_start3A_7 = arith.constant 0 : i32
    %dma_start3A_8 = tpu.memref_slice %arg3[%dma_start3A_6, %dma_start3A_7] : memref<1000000x128xf32, #tpu.memory_space<hbm>> -> memref<1000000x128xf32, #tpu.memory_space<hbm>>
    tpu.enqueue_indirect_dma source(%dma_start3A_8 : memref<1000000x128xf32, #tpu.memory_space<hbm>>) target(%arg6 : memref<56x128xf32, #tpu.memory_space<vmem>>) offsets(%dma_start3A_5 : memref<56xi32, #tpu.memory_space<vmem>>) semaphore(%arg14 : memref<!tpu.dma_semaphore, #tpu.memory_space<semaphore_mem>>)
    %dma_start3A_9 = arith.constant 1 : i32
    %dma_start3A_10 = arith.constant 0 : i32
    %dma_start3A_11 = tpu.memref_slice %arg5[%dma_start3A_9, %dma_start3A_10] : memref<512x56xi32, #tpu.memory_space<vmem>> -> memref<1x56xi32, #tpu.memory_space<vmem>>
    %dma_start3A_12 = tpu.memref_squeeze %dma_start3A_11 : memref<1x56xi32, #tpu.memory_space<vmem>> -> memref<56xi32, #tpu.memory_space<vmem>>
    %dma_start3A_13 = arith.constant 0 : i32
    %dma_start3A_14 = arith.constant 0 : i32
    %dma_start3A_15 = tpu.memref_slice %arg3[%dma_start3A_13, %dma_start3A_14] : memref<1000000x128xf32, #tpu.memory_space<hbm>> -> memref<1000000x128xf32, #tpu.memory_space<hbm>>
    tpu.enqueue_indirect_dma source(%dma_start3A_15 : memref<1000000x128xf32, #tpu.memory_space<hbm>>) target(%arg7 : memref<56x128xf32, #tpu.memory_space<vmem>>) offsets(%dma_start3A_12 : memref<56xi32, #tpu.memory_space<vmem>>) semaphore(%arg15 : memref<!tpu.dma_semaphore, #tpu.memory_space<semaphore_mem>>)
    %dma_start3A_16 = arith.constant 2 : i32
    %dma_start3A_17 = arith.constant 0 : i32
    %dma_start3A_18 = tpu.memref_slice %arg5[%dma_start3A_16, %dma_start3A_17] : memref<512x56xi32, #tpu.memory_space<vmem>> -> memref<1x56xi32, #tpu.memory_space<vmem>>
    %dma_start3A_19 = tpu.memref_squeeze %dma_start3A_18 : memref<1x56xi32, #tpu.memory_space<vmem>> -> memref<56xi32, #tpu.memory_space<vmem>>
    %dma_start3A_20 = arith.constant 0 : i32
    %dma_start3A_21 = arith.constant 0 : i32
    %dma_start3A_22 = tpu.memref_slice %arg3[%dma_start3A_20, %dma_start3A_21] : memref<1000000x128xf32, #tpu.memory_space<hbm>> -> memref<1000000x128xf32, #tpu.memory_space<hbm>>
    tpu.enqueue_indirect_dma source(%dma_start3A_22 : memref<1000000x128xf32, #tpu.memory_space<hbm>>) target(%arg8 : memref<56x128xf32, #tpu.memory_space<vmem>>) offsets(%dma_start3A_19 : memref<56xi32, #tpu.memory_space<vmem>>) semaphore(%arg16 : memref<!tpu.dma_semaphore, #tpu.memory_space<semaphore_mem>>)
    %dma_start3A_23 = arith.constant 3 : i32
    %dma_start3A_24 = arith.constant 0 : i32
    %dma_start3A_25 = tpu.memref_slice %arg5[%dma_start3A_23, %dma_start3A_24] : memref<512x56xi32, #tpu.memory_space<vmem>> -> memref<1x56xi32, #tpu.memory_space<vmem>>
    %dma_start3A_26 = tpu.memref_squeeze %dma_start3A_25 : memref<1x56xi32, #tpu.memory_space<vmem>> -> memref<56xi32, #tpu.memory_space<vmem>>
    %dma_start3A_27 = arith.constant 0 : i32
    %dma_start3A_28 = arith.constant 0 : i32
    %dma_start3A_29 = tpu.memref_slice %arg3[%dma_start3A_27, %dma_start3A_28] : memref<1000000x128xf32, #tpu.memory_space<hbm>> -> memref<1000000x128xf32, #tpu.memory_space<hbm>>
    tpu.enqueue_indirect_dma source(%dma_start3A_29 : memref<1000000x128xf32, #tpu.memory_space<hbm>>) target(%arg9 : memref<56x128xf32, #tpu.memory_space<vmem>>) offsets(%dma_start3A_26 : memref<56xi32, #tpu.memory_space<vmem>>) semaphore(%arg17 : memref<!tpu.dma_semaphore, #tpu.memory_space<semaphore_mem>>)
    %dma_start3A_30 = arith.constant 4 : i32
    %dma_start3A_31 = arith.constant 0 : i32
    %dma_start3A_32 = tpu.memref_slice %arg5[%dma_start3A_30, %dma_start3A_31] : memref<512x56xi32, #tpu.memory_space<vmem>> -> memref<1x56xi32, #tpu.memory_space<vmem>>
    %dma_start3A_33 = tpu.memref_squeeze %dma_start3A_32 : memref<1x56xi32, #tpu.memory_space<vmem>> -> memref<56xi32, #tpu.memory_space<vmem>>
    %dma_start3A_34 = arith.constant 0 : i32
    %dma_start3A_35 = arith.constant 0 : i32
    %dma_start3A_36 = tpu.memref_slice %arg3[%dma_start3A_34, %dma_start3A_35] : memref<1000000x128xf32, #tpu.memory_space<hbm>> -> memref<1000000x128xf32, #tpu.memory_space<hbm>>
    tpu.enqueue_indirect_dma source(%dma_start3A_36 : memref<1000000x128xf32, #tpu.memory_space<hbm>>) target(%arg10 : memref<56x128xf32, #tpu.memory_space<vmem>>) offsets(%dma_start3A_33 : memref<56xi32, #tpu.memory_space<vmem>>) semaphore(%arg18 : memref<!tpu.dma_semaphore, #tpu.memory_space<semaphore_mem>>)
    %dma_start3A_37 = arith.constant 5 : i32
    %dma_start3A_38 = arith.constant 0 : i32
    %dma_start3A_39 = tpu.memref_slice %arg5[%dma_start3A_37, %dma_start3A_38] : memref<512x56xi32, #tpu.memory_space<vmem>> -> memref<1x56xi32, #tpu.memory_space<vmem>>
    %dma_start3A_40 = tpu.memref_squeeze %dma_start3A_39 : memref<1x56xi32, #tpu.memory_space<vmem>> -> memref<56xi32, #tpu.memory_space<vmem>>
    %dma_start3A_41 = arith.constant 0 : i32
    %dma_start3A_42 = arith.constant 0 : i32
    %dma_start3A_43 = tpu.memref_slice %arg3[%dma_start3A_41, %dma_start3A_42] : memref<1000000x128xf32, #tpu.memory_space<hbm>> -> memref<1000000x128xf32, #tpu.memory_space<hbm>>
    tpu.enqueue_indirect_dma source(%dma_start3A_43 : memref<1000000x128xf32, #tpu.memory_space<hbm>>) target(%arg11 : memref<56x128xf32, #tpu.memory_space<vmem>>) offsets(%dma_start3A_40 : memref<56xi32, #tpu.memory_space<vmem>>) semaphore(%arg19 : memref<!tpu.dma_semaphore, #tpu.memory_space<semaphore_mem>>)
    %dma_start3A_44 = arith.constant 6 : i32
    %dma_start3A_45 = arith.constant 0 : i32
    %dma_start3A_46 = tpu.memref_slice %arg5[%dma_start3A_44, %dma_start3A_45] : memref<512x56xi32, #tpu.memory_space<vmem>> -> memref<1x56xi32, #tpu.memory_space<vmem>>
    %dma_start3A_47 = tpu.memref_squeeze %dma_start3A_46 : memref<1x56xi32, #tpu.memory_space<vmem>> -> memref<56xi32, #tpu.memory_space<vmem>>
    %dma_start3A_48 = arith.constant 0 : i32
    %dma_start3A_49 = arith.constant 0 : i32
    %dma_start3A_50 = tpu.memref_slice %arg3[%dma_start3A_48, %dma_start3A_49] : memref<1000000x128xf32, #tpu.memory_space<hbm>> -> memref<1000000x128xf32, #tpu.memory_space<hbm>>
    tpu.enqueue_indirect_dma source(%dma_start3A_50 : memref<1000000x128xf32, #tpu.memory_space<hbm>>) target(%arg12 : memref<56x128xf32, #tpu.memory_space<vmem>>) offsets(%dma_start3A_47 : memref<56xi32, #tpu.memory_space<vmem>>) semaphore(%arg20 : memref<!tpu.dma_semaphore, #tpu.memory_space<semaphore_mem>>)
    %dma_start3A_51 = arith.constant 7 : i32
    %dma_start3A_52 = arith.constant 0 : i32
    %dma_start3A_53 = tpu.memref_slice %arg5[%dma_start3A_51, %dma_start3A_52] : memref<512x56xi32, #tpu.memory_space<vmem>> -> memref<1x56xi32, #tpu.memory_space<vmem>>
    %dma_start3A_54 = tpu.memref_squeeze %dma_start3A_53 : memref<1x56xi32, #tpu.memory_space<vmem>> -> memref<56xi32, #tpu.memory_space<vmem>>
    %dma_start3A_55 = arith.constant 0 : i32
    %dma_start3A_56 = arith.constant 0 : i32
    %dma_start3A_57 = tpu.memref_slice %arg3[%dma_start3A_55, %dma_start3A_56] : memref<1000000x128xf32, #tpu.memory_space<hbm>> -> memref<1000000x128xf32, #tpu.memory_space<hbm>>
    tpu.enqueue_indirect_dma source(%dma_start3A_57 : memref<1000000x128xf32, #tpu.memory_space<hbm>>) target(%arg13 : memref<56x128xf32, #tpu.memory_space<vmem>>) offsets(%dma_start3A_54 : memref<56xi32, #tpu.memory_space<vmem>>) semaphore(%arg21 : memref<!tpu.dma_semaphore, #tpu.memory_space<semaphore_mem>>)
    %scan3A = arith.constant 0 : i32
    %scan3A_58 = arith.constant 0 : i32
    %scan3A_59 = arith.constant 64 : i32
    %scan3A_60 = arith.addi %scan3A_58, %scan3A_59 : i32
    %scan3A_61 = arith.constant 1 : i32
    scf.for %scan3A_126 = %scan3A_58 to %scan3A_60 step %scan3A_61  : i32 {
      %mul3A_127 = arith.constant 8 : i32
      %mul3A_128 = arith.muli %scan3A_126, %mul3A_127 : i32
      %add3A_129 = arith.constant 0 : i32
      %add3A_130 = arith.addi %mul3A_128, %add3A_129 : i32
      %dma_wait3A_131 = arith.constant 0 : i32
      %dma_wait3A_132 = arith.constant 0 : i32
      %dma_wait3A_133 = tpu.memref_slice %arg5[%dma_wait3A_131, %dma_wait3A_132] : memref<512x56xi32, #tpu.memory_space<vmem>> -> memref<1x56xi32, #tpu.memory_space<vmem>>
      %dma_wait3A_134 = tpu.memref_squeeze %dma_wait3A_133 : memref<1x56xi32, #tpu.memory_space<vmem>> -> memref<56xi32, #tpu.memory_space<vmem>>
      %dma_wait3A_135 = arith.constant 0 : i32
      %dma_wait3A_136 = arith.constant 0 : i32
      %dma_wait3A_137 = tpu.memref_slice %arg3[%dma_wait3A_135, %dma_wait3A_136] : memref<1000000x128xf32, #tpu.memory_space<hbm>> -> memref<1000000x128xf32, #tpu.memory_space<hbm>>
      tpu.wait_indirect_dma semaphore(%arg14 : memref<!tpu.dma_semaphore, #tpu.memory_space<semaphore_mem>>) src(%dma_wait3A_137 : memref<1000000x128xf32, #tpu.memory_space<hbm>>) dst(%arg6 : memref<56x128xf32, #tpu.memory_space<vmem>>)
      %add3A_138 = arith.addi %mul3A_2, %add3A_130 : i32
      %dma_start3A_139 = arith.constant 0 : i32
      %dma_start3A_140 = arith.constant 0 : i32
      %dma_start3A_141 = tpu.memref_slice %arg4[%add3A_138, %dma_start3A_139, %dma_start3A_140] : memref<16384x56x128xf32, #tpu.memory_space<hbm>> -> memref<1x56x128xf32, #tpu.memory_space<hbm>>
      %dma_start3A_142 = tpu.memref_squeeze %dma_start3A_141 : memref<1x56x128xf32, #tpu.memory_space<hbm>> -> memref<56x128xf32, #tpu.memory_space<hbm>>
      %dma_start3A_143 = arith.constant 0 : i32
      %dma_start3A_144 = arith.constant 0 : i32
      %dma_start3A_145 = tpu.memref_slice %arg4[%add3A_138, %dma_start3A_143, %dma_start3A_144] : memref<16384x56x128xf32, #tpu.memory_space<hbm>> -> memref<1x56x128xf32, #tpu.memory_space<hbm>>
      %dma_start3A_146 = tpu.memref_squeeze %dma_start3A_145 : memref<1x56x128xf32, #tpu.memory_space<hbm>> -> memref<56x128xf32, #tpu.memory_space<hbm>>
      tpu.enqueue_dma source(%arg6 : memref<56x128xf32, #tpu.memory_space<vmem>>) target(%dma_start3A_146 : memref<56x128xf32, #tpu.memory_space<hbm>>) target_semaphore(%arg22 : memref<!tpu.dma_semaphore, #tpu.memory_space<semaphore_mem>>)
      %add3A_147 = arith.constant 4 : i32
      %add3A_148 = arith.addi %add3A_130, %add3A_147 : i32
      %ge3A = arith.constant 4 : i32
      %ge3A_149 = arith.cmpi sge, %add3A_130, %ge3A : i32
      %lt3A = arith.constant 512 : i32
      %lt3A_150 = arith.cmpi slt, %add3A_148, %lt3A : i32
      %and3A = arith.andi %ge3A_149, %lt3A_150 : i1
      %convert_element_type3A = arith.extui %and3A : i1 to i32
      %cond3A = arith.constant 0 : i32
      %cond3A_151 = arith.cmpi ne, %convert_element_type3A, %cond3A : i32
      scf.if %cond3A_151 {
        %dma_wait3A_362 = arith.constant 0 : i32
        %dma_wait3A_363 = arith.constant 0 : i32
        %dma_wait3A_364 = tpu.memref_slice %arg4[%mul3A_2, %dma_wait3A_362, %dma_wait3A_363] : memref<16384x56x128xf32, #tpu.memory_space<hbm>> -> memref<1x56x128xf32, #tpu.memory_space<hbm>>
        %dma_wait3A_365 = tpu.memref_squeeze %dma_wait3A_364 : memref<1x56x128xf32, #tpu.memory_space<hbm>> -> memref<56x128xf32, #tpu.memory_space<hbm>>
        %dma_wait3A_366 = arith.constant 0 : i32
        %dma_wait3A_367 = arith.constant 0 : i32
        %dma_wait3A_368 = tpu.memref_slice %arg4[%mul3A_2, %dma_wait3A_366, %dma_wait3A_367] : memref<16384x56x128xf32, #tpu.memory_space<hbm>> -> memref<1x56x128xf32, #tpu.memory_space<hbm>>
        %dma_wait3A_369 = tpu.memref_squeeze %dma_wait3A_368 : memref<1x56x128xf32, #tpu.memory_space<hbm>> -> memref<56x128xf32, #tpu.memory_space<hbm>>
        tpu.wait_dma2 semaphore(%arg26 : memref<!tpu.dma_semaphore, #tpu.memory_space<semaphore_mem>>) src(%arg10 : memref<56x128xf32, #tpu.memory_space<vmem>>) dst(%dma_wait3A_369 : memref<56x128xf32, #tpu.memory_space<hbm>>)
        %dma_start3A_370 = arith.constant 0 : i32
        %dma_start3A_371 = tpu.memref_slice %arg5[%add3A_148, %dma_start3A_370] : memref<512x56xi32, #tpu.memory_space<vmem>> -> memref<1x56xi32, #tpu.memory_space<vmem>>
        %dma_start3A_372 = tpu.memref_squeeze %dma_start3A_371 : memref<1x56xi32, #tpu.memory_space<vmem>> -> memref<56xi32, #tpu.memory_space<vmem>>
        %dma_start3A_373 = arith.constant 0 : i32
        %dma_start3A_374 = arith.constant 0 : i32
        %dma_start3A_375 = tpu.memref_slice %arg3[%dma_start3A_373, %dma_start3A_374] : memref<1000000x128xf32, #tpu.memory_space<hbm>> -> memref<1000000x128xf32, #tpu.memory_space<hbm>>
        tpu.enqueue_indirect_dma source(%dma_start3A_375 : memref<1000000x128xf32, #tpu.memory_space<hbm>>) target(%arg10 : memref<56x128xf32, #tpu.memory_space<vmem>>) offsets(%dma_start3A_372 : memref<56xi32, #tpu.memory_space<vmem>>) semaphore(%arg18 : memref<!tpu.dma_semaphore, #tpu.memory_space<semaphore_mem>>)
      } else {
      }
      %mul3A_152 = arith.constant 8 : i32
      %mul3A_153 = arith.muli %scan3A_126, %mul3A_152 : i32
      %add3A_154 = arith.constant 1 : i32
      %add3A_155 = arith.addi %mul3A_153, %add3A_154 : i32
      %dma_wait3A_156 = arith.constant 0 : i32
      %dma_wait3A_157 = arith.constant 0 : i32
      %dma_wait3A_158 = tpu.memref_slice %arg5[%dma_wait3A_156, %dma_wait3A_157] : memref<512x56xi32, #tpu.memory_space<vmem>> -> memref<1x56xi32, #tpu.memory_space<vmem>>
      %dma_wait3A_159 = tpu.memref_squeeze %dma_wait3A_158 : memref<1x56xi32, #tpu.memory_space<vmem>> -> memref<56xi32, #tpu.memory_space<vmem>>
      %dma_wait3A_160 = arith.constant 0 : i32
      %dma_wait3A_161 = arith.constant 0 : i32
      %dma_wait3A_162 = tpu.memref_slice %arg3[%dma_wait3A_160, %dma_wait3A_161] : memref<1000000x128xf32, #tpu.memory_space<hbm>> -> memref<1000000x128xf32, #tpu.memory_space<hbm>>
      tpu.wait_indirect_dma semaphore(%arg15 : memref<!tpu.dma_semaphore, #tpu.memory_space<semaphore_mem>>) src(%dma_wait3A_162 : memref<1000000x128xf32, #tpu.memory_space<hbm>>) dst(%arg7 : memref<56x128xf32, #tpu.memory_space<vmem>>)
      %add3A_163 = arith.addi %mul3A_2, %add3A_155 : i32
      %dma_start3A_164 = arith.constant 0 : i32
      %dma_start3A_165 = arith.constant 0 : i32
      %dma_start3A_166 = tpu.memref_slice %arg4[%add3A_163, %dma_start3A_164, %dma_start3A_165] : memref<16384x56x128xf32, #tpu.memory_space<hbm>> -> memref<1x56x128xf32, #tpu.memory_space<hbm>>
      %dma_start3A_167 = tpu.memref_squeeze %dma_start3A_166 : memref<1x56x128xf32, #tpu.memory_space<hbm>> -> memref<56x128xf32, #tpu.memory_space<hbm>>
      %dma_start3A_168 = arith.constant 0 : i32
      %dma_start3A_169 = arith.constant 0 : i32
      %dma_start3A_170 = tpu.memref_slice %arg4[%add3A_163, %dma_start3A_168, %dma_start3A_169] : memref<16384x56x128xf32, #tpu.memory_space<hbm>> -> memref<1x56x128xf32, #tpu.memory_space<hbm>>
      %dma_start3A_171 = tpu.memref_squeeze %dma_start3A_170 : memref<1x56x128xf32, #tpu.memory_space<hbm>> -> memref<56x128xf32, #tpu.memory_space<hbm>>
      tpu.enqueue_dma source(%arg7 : memref<56x128xf32, #tpu.memory_space<vmem>>) target(%dma_start3A_171 : memref<56x128xf32, #tpu.memory_space<hbm>>) target_semaphore(%arg23 : memref<!tpu.dma_semaphore, #tpu.memory_space<semaphore_mem>>)
      %add3A_172 = arith.constant 4 : i32
      %add3A_173 = arith.addi %add3A_155, %add3A_172 : i32
      %ge3A_174 = arith.constant 4 : i32
      %ge3A_175 = arith.cmpi sge, %add3A_155, %ge3A_174 : i32
      %lt3A_176 = arith.constant 512 : i32
      %lt3A_177 = arith.cmpi slt, %add3A_173, %lt3A_176 : i32
      %and3A_178 = arith.andi %ge3A_175, %lt3A_177 : i1
      %convert_element_type3A_179 = arith.extui %and3A_178 : i1 to i32
      %cond3A_180 = arith.constant 0 : i32
      %cond3A_181 = arith.cmpi ne, %convert_element_type3A_179, %cond3A_180 : i32
      scf.if %cond3A_181 {
        %dma_wait3A_362 = arith.constant 0 : i32
        %dma_wait3A_363 = arith.constant 0 : i32
        %dma_wait3A_364 = tpu.memref_slice %arg4[%mul3A_2, %dma_wait3A_362, %dma_wait3A_363] : memref<16384x56x128xf32, #tpu.memory_space<hbm>> -> memref<1x56x128xf32, #tpu.memory_space<hbm>>
        %dma_wait3A_365 = tpu.memref_squeeze %dma_wait3A_364 : memref<1x56x128xf32, #tpu.memory_space<hbm>> -> memref<56x128xf32, #tpu.memory_space<hbm>>
        %dma_wait3A_366 = arith.constant 0 : i32
        %dma_wait3A_367 = arith.constant 0 : i32
        %dma_wait3A_368 = tpu.memref_slice %arg4[%mul3A_2, %dma_wait3A_366, %dma_wait3A_367] : memref<16384x56x128xf32, #tpu.memory_space<hbm>> -> memref<1x56x128xf32, #tpu.memory_space<hbm>>
        %dma_wait3A_369 = tpu.memref_squeeze %dma_wait3A_368 : memref<1x56x128xf32, #tpu.memory_space<hbm>> -> memref<56x128xf32, #tpu.memory_space<hbm>>
        tpu.wait_dma2 semaphore(%arg27 : memref<!tpu.dma_semaphore, #tpu.memory_space<semaphore_mem>>) src(%arg11 : memref<56x128xf32, #tpu.memory_space<vmem>>) dst(%dma_wait3A_369 : memref<56x128xf32, #tpu.memory_space<hbm>>)
        %dma_start3A_370 = arith.constant 0 : i32
        %dma_start3A_371 = tpu.memref_slice %arg5[%add3A_173, %dma_start3A_370] : memref<512x56xi32, #tpu.memory_space<vmem>> -> memref<1x56xi32, #tpu.memory_space<vmem>>
        %dma_start3A_372 = tpu.memref_squeeze %dma_start3A_371 : memref<1x56xi32, #tpu.memory_space<vmem>> -> memref<56xi32, #tpu.memory_space<vmem>>
        %dma_start3A_373 = arith.constant 0 : i32
        %dma_start3A_374 = arith.constant 0 : i32
        %dma_start3A_375 = tpu.memref_slice %arg3[%dma_start3A_373, %dma_start3A_374] : memref<1000000x128xf32, #tpu.memory_space<hbm>> -> memref<1000000x128xf32, #tpu.memory_space<hbm>>
        tpu.enqueue_indirect_dma source(%dma_start3A_375 : memref<1000000x128xf32, #tpu.memory_space<hbm>>) target(%arg11 : memref<56x128xf32, #tpu.memory_space<vmem>>) offsets(%dma_start3A_372 : memref<56xi32, #tpu.memory_space<vmem>>) semaphore(%arg19 : memref<!tpu.dma_semaphore, #tpu.memory_space<semaphore_mem>>)
      } else {
      }
      %mul3A_182 = arith.constant 8 : i32
      %mul3A_183 = arith.muli %scan3A_126, %mul3A_182 : i32
      %add3A_184 = arith.constant 2 : i32
      %add3A_185 = arith.addi %mul3A_183, %add3A_184 : i32
      %dma_wait3A_186 = arith.constant 0 : i32
      %dma_wait3A_187 = arith.constant 0 : i32
      %dma_wait3A_188 = tpu.memref_slice %arg5[%dma_wait3A_186, %dma_wait3A_187] : memref<512x56xi32, #tpu.memory_space<vmem>> -> memref<1x56xi32, #tpu.memory_space<vmem>>
      %dma_wait3A_189 = tpu.memref_squeeze %dma_wait3A_188 : memref<1x56xi32, #tpu.memory_space<vmem>> -> memref<56xi32, #tpu.memory_space<vmem>>
      %dma_wait3A_190 = arith.constant 0 : i32
      %dma_wait3A_191 = arith.constant 0 : i32
      %dma_wait3A_192 = tpu.memref_slice %arg3[%dma_wait3A_190, %dma_wait3A_191] : memref<1000000x128xf32, #tpu.memory_space<hbm>> -> memref<1000000x128xf32, #tpu.memory_space<hbm>>
      tpu.wait_indirect_dma semaphore(%arg16 : memref<!tpu.dma_semaphore, #tpu.memory_space<semaphore_mem>>) src(%dma_wait3A_192 : memref<1000000x128xf32, #tpu.memory_space<hbm>>) dst(%arg8 : memref<56x128xf32, #tpu.memory_space<vmem>>)
      %add3A_193 = arith.addi %mul3A_2, %add3A_185 : i32
      %dma_start3A_194 = arith.constant 0 : i32
      %dma_start3A_195 = arith.constant 0 : i32
      %dma_start3A_196 = tpu.memref_slice %arg4[%add3A_193, %dma_start3A_194, %dma_start3A_195] : memref<16384x56x128xf32, #tpu.memory_space<hbm>> -> memref<1x56x128xf32, #tpu.memory_space<hbm>>
      %dma_start3A_197 = tpu.memref_squeeze %dma_start3A_196 : memref<1x56x128xf32, #tpu.memory_space<hbm>> -> memref<56x128xf32, #tpu.memory_space<hbm>>
      %dma_start3A_198 = arith.constant 0 : i32
      %dma_start3A_199 = arith.constant 0 : i32
      %dma_start3A_200 = tpu.memref_slice %arg4[%add3A_193, %dma_start3A_198, %dma_start3A_199] : memref<16384x56x128xf32, #tpu.memory_space<hbm>> -> memref<1x56x128xf32, #tpu.memory_space<hbm>>
      %dma_start3A_201 = tpu.memref_squeeze %dma_start3A_200 : memref<1x56x128xf32, #tpu.memory_space<hbm>> -> memref<56x128xf32, #tpu.memory_space<hbm>>
      tpu.enqueue_dma source(%arg8 : memref<56x128xf32, #tpu.memory_space<vmem>>) target(%dma_start3A_201 : memref<56x128xf32, #tpu.memory_space<hbm>>) target_semaphore(%arg24 : memref<!tpu.dma_semaphore, #tpu.memory_space<semaphore_mem>>)
      %add3A_202 = arith.constant 4 : i32
      %add3A_203 = arith.addi %add3A_185, %add3A_202 : i32
      %ge3A_204 = arith.constant 4 : i32
      %ge3A_205 = arith.cmpi sge, %add3A_185, %ge3A_204 : i32
      %lt3A_206 = arith.constant 512 : i32
      %lt3A_207 = arith.cmpi slt, %add3A_203, %lt3A_206 : i32
      %and3A_208 = arith.andi %ge3A_205, %lt3A_207 : i1
      %convert_element_type3A_209 = arith.extui %and3A_208 : i1 to i32
      %cond3A_210 = arith.constant 0 : i32
      %cond3A_211 = arith.cmpi ne, %convert_element_type3A_209, %cond3A_210 : i32
      scf.if %cond3A_211 {
        %dma_wait3A_362 = arith.constant 0 : i32
        %dma_wait3A_363 = arith.constant 0 : i32
        %dma_wait3A_364 = tpu.memref_slice %arg4[%mul3A_2, %dma_wait3A_362, %dma_wait3A_363] : memref<16384x56x128xf32, #tpu.memory_space<hbm>> -> memref<1x56x128xf32, #tpu.memory_space<hbm>>
        %dma_wait3A_365 = tpu.memref_squeeze %dma_wait3A_364 : memref<1x56x128xf32, #tpu.memory_space<hbm>> -> memref<56x128xf32, #tpu.memory_space<hbm>>
        %dma_wait3A_366 = arith.constant 0 : i32
        %dma_wait3A_367 = arith.constant 0 : i32
        %dma_wait3A_368 = tpu.memref_slice %arg4[%mul3A_2, %dma_wait3A_366, %dma_wait3A_367] : memref<16384x56x128xf32, #tpu.memory_space<hbm>> -> memref<1x56x128xf32, #tpu.memory_space<hbm>>
        %dma_wait3A_369 = tpu.memref_squeeze %dma_wait3A_368 : memref<1x56x128xf32, #tpu.memory_space<hbm>> -> memref<56x128xf32, #tpu.memory_space<hbm>>
        tpu.wait_dma2 semaphore(%arg28 : memref<!tpu.dma_semaphore, #tpu.memory_space<semaphore_mem>>) src(%arg12 : memref<56x128xf32, #tpu.memory_space<vmem>>) dst(%dma_wait3A_369 : memref<56x128xf32, #tpu.memory_space<hbm>>)
        %dma_start3A_370 = arith.constant 0 : i32
        %dma_start3A_371 = tpu.memref_slice %arg5[%add3A_203, %dma_start3A_370] : memref<512x56xi32, #tpu.memory_space<vmem>> -> memref<1x56xi32, #tpu.memory_space<vmem>>
        %dma_start3A_372 = tpu.memref_squeeze %dma_start3A_371 : memref<1x56xi32, #tpu.memory_space<vmem>> -> memref<56xi32, #tpu.memory_space<vmem>>
        %dma_start3A_373 = arith.constant 0 : i32
        %dma_start3A_374 = arith.constant 0 : i32
        %dma_start3A_375 = tpu.memref_slice %arg3[%dma_start3A_373, %dma_start3A_374] : memref<1000000x128xf32, #tpu.memory_space<hbm>> -> memref<1000000x128xf32, #tpu.memory_space<hbm>>
        tpu.enqueue_indirect_dma source(%dma_start3A_375 : memref<1000000x128xf32, #tpu.memory_space<hbm>>) target(%arg12 : memref<56x128xf32, #tpu.memory_space<vmem>>) offsets(%dma_start3A_372 : memref<56xi32, #tpu.memory_space<vmem>>) semaphore(%arg20 : memref<!tpu.dma_semaphore, #tpu.memory_space<semaphore_mem>>)
      } else {
      }
      %mul3A_212 = arith.constant 8 : i32
      %mul3A_213 = arith.muli %scan3A_126, %mul3A_212 : i32
      %add3A_214 = arith.constant 3 : i32
      %add3A_215 = arith.addi %mul3A_213, %add3A_214 : i32
      %dma_wait3A_216 = arith.constant 0 : i32
      %dma_wait3A_217 = arith.constant 0 : i32
      %dma_wait3A_218 = tpu.memref_slice %arg5[%dma_wait3A_216, %dma_wait3A_217] : memref<512x56xi32, #tpu.memory_space<vmem>> -> memref<1x56xi32, #tpu.memory_space<vmem>>
      %dma_wait3A_219 = tpu.memref_squeeze %dma_wait3A_218 : memref<1x56xi32, #tpu.memory_space<vmem>> -> memref<56xi32, #tpu.memory_space<vmem>>
      %dma_wait3A_220 = arith.constant 0 : i32
      %dma_wait3A_221 = arith.constant 0 : i32
      %dma_wait3A_222 = tpu.memref_slice %arg3[%dma_wait3A_220, %dma_wait3A_221] : memref<1000000x128xf32, #tpu.memory_space<hbm>> -> memref<1000000x128xf32, #tpu.memory_space<hbm>>
      tpu.wait_indirect_dma semaphore(%arg17 : memref<!tpu.dma_semaphore, #tpu.memory_space<semaphore_mem>>) src(%dma_wait3A_222 : memref<1000000x128xf32, #tpu.memory_space<hbm>>) dst(%arg9 : memref<56x128xf32, #tpu.memory_space<vmem>>)
      %add3A_223 = arith.addi %mul3A_2, %add3A_215 : i32
      %dma_start3A_224 = arith.constant 0 : i32
      %dma_start3A_225 = arith.constant 0 : i32
      %dma_start3A_226 = tpu.memref_slice %arg4[%add3A_223, %dma_start3A_224, %dma_start3A_225] : memref<16384x56x128xf32, #tpu.memory_space<hbm>> -> memref<1x56x128xf32, #tpu.memory_space<hbm>>
      %dma_start3A_227 = tpu.memref_squeeze %dma_start3A_226 : memref<1x56x128xf32, #tpu.memory_space<hbm>> -> memref<56x128xf32, #tpu.memory_space<hbm>>
      %dma_start3A_228 = arith.constant 0 : i32
      %dma_start3A_229 = arith.constant 0 : i32
      %dma_start3A_230 = tpu.memref_slice %arg4[%add3A_223, %dma_start3A_228, %dma_start3A_229] : memref<16384x56x128xf32, #tpu.memory_space<hbm>> -> memref<1x56x128xf32, #tpu.memory_space<hbm>>
      %dma_start3A_231 = tpu.memref_squeeze %dma_start3A_230 : memref<1x56x128xf32, #tpu.memory_space<hbm>> -> memref<56x128xf32, #tpu.memory_space<hbm>>
      tpu.enqueue_dma source(%arg9 : memref<56x128xf32, #tpu.memory_space<vmem>>) target(%dma_start3A_231 : memref<56x128xf32, #tpu.memory_space<hbm>>) target_semaphore(%arg25 : memref<!tpu.dma_semaphore, #tpu.memory_space<semaphore_mem>>)
      %add3A_232 = arith.constant 4 : i32
      %add3A_233 = arith.addi %add3A_215, %add3A_232 : i32
      %ge3A_234 = arith.constant 4 : i32
      %ge3A_235 = arith.cmpi sge, %add3A_215, %ge3A_234 : i32
      %lt3A_236 = arith.constant 512 : i32
      %lt3A_237 = arith.cmpi slt, %add3A_233, %lt3A_236 : i32
      %and3A_238 = arith.andi %ge3A_235, %lt3A_237 : i1
      %convert_element_type3A_239 = arith.extui %and3A_238 : i1 to i32
      %cond3A_240 = arith.constant 0 : i32
      %cond3A_241 = arith.cmpi ne, %convert_element_type3A_239, %cond3A_240 : i32
      scf.if %cond3A_241 {
        %dma_wait3A_362 = arith.constant 0 : i32
        %dma_wait3A_363 = arith.constant 0 : i32
        %dma_wait3A_364 = tpu.memref_slice %arg4[%mul3A_2, %dma_wait3A_362, %dma_wait3A_363] : memref<16384x56x128xf32, #tpu.memory_space<hbm>> -> memref<1x56x128xf32, #tpu.memory_space<hbm>>
        %dma_wait3A_365 = tpu.memref_squeeze %dma_wait3A_364 : memref<1x56x128xf32, #tpu.memory_space<hbm>> -> memref<56x128xf32, #tpu.memory_space<hbm>>
        %dma_wait3A_366 = arith.constant 0 : i32
        %dma_wait3A_367 = arith.constant 0 : i32
        %dma_wait3A_368 = tpu.memref_slice %arg4[%mul3A_2, %dma_wait3A_366, %dma_wait3A_367] : memref<16384x56x128xf32, #tpu.memory_space<hbm>> -> memref<1x56x128xf32, #tpu.memory_space<hbm>>
        %dma_wait3A_369 = tpu.memref_squeeze %dma_wait3A_368 : memref<1x56x128xf32, #tpu.memory_space<hbm>> -> memref<56x128xf32, #tpu.memory_space<hbm>>
        tpu.wait_dma2 semaphore(%arg29 : memref<!tpu.dma_semaphore, #tpu.memory_space<semaphore_mem>>) src(%arg13 : memref<56x128xf32, #tpu.memory_space<vmem>>) dst(%dma_wait3A_369 : memref<56x128xf32, #tpu.memory_space<hbm>>)
        %dma_start3A_370 = arith.constant 0 : i32
        %dma_start3A_371 = tpu.memref_slice %arg5[%add3A_233, %dma_start3A_370] : memref<512x56xi32, #tpu.memory_space<vmem>> -> memref<1x56xi32, #tpu.memory_space<vmem>>
        %dma_start3A_372 = tpu.memref_squeeze %dma_start3A_371 : memref<1x56xi32, #tpu.memory_space<vmem>> -> memref<56xi32, #tpu.memory_space<vmem>>
        %dma_start3A_373 = arith.constant 0 : i32
        %dma_start3A_374 = arith.constant 0 : i32
        %dma_start3A_375 = tpu.memref_slice %arg3[%dma_start3A_373, %dma_start3A_374] : memref<1000000x128xf32, #tpu.memory_space<hbm>> -> memref<1000000x128xf32, #tpu.memory_space<hbm>>
        tpu.enqueue_indirect_dma source(%dma_start3A_375 : memref<1000000x128xf32, #tpu.memory_space<hbm>>) target(%arg13 : memref<56x128xf32, #tpu.memory_space<vmem>>) offsets(%dma_start3A_372 : memref<56xi32, #tpu.memory_space<vmem>>) semaphore(%arg21 : memref<!tpu.dma_semaphore, #tpu.memory_space<semaphore_mem>>)
      } else {
      }
      %mul3A_242 = arith.constant 8 : i32
      %mul3A_243 = arith.muli %scan3A_126, %mul3A_242 : i32
      %add3A_244 = arith.constant 4 : i32
      %add3A_245 = arith.addi %mul3A_243, %add3A_244 : i32
      %dma_wait3A_246 = arith.constant 0 : i32
      %dma_wait3A_247 = arith.constant 0 : i32
      %dma_wait3A_248 = tpu.memref_slice %arg5[%dma_wait3A_246, %dma_wait3A_247] : memref<512x56xi32, #tpu.memory_space<vmem>> -> memref<1x56xi32, #tpu.memory_space<vmem>>
      %dma_wait3A_249 = tpu.memref_squeeze %dma_wait3A_248 : memref<1x56xi32, #tpu.memory_space<vmem>> -> memref<56xi32, #tpu.memory_space<vmem>>
      %dma_wait3A_250 = arith.constant 0 : i32
      %dma_wait3A_251 = arith.constant 0 : i32
      %dma_wait3A_252 = tpu.memref_slice %arg3[%dma_wait3A_250, %dma_wait3A_251] : memref<1000000x128xf32, #tpu.memory_space<hbm>> -> memref<1000000x128xf32, #tpu.memory_space<hbm>>
      tpu.wait_indirect_dma semaphore(%arg18 : memref<!tpu.dma_semaphore, #tpu.memory_space<semaphore_mem>>) src(%dma_wait3A_252 : memref<1000000x128xf32, #tpu.memory_space<hbm>>) dst(%arg10 : memref<56x128xf32, #tpu.memory_space<vmem>>)
      %add3A_253 = arith.addi %mul3A_2, %add3A_245 : i32
      %dma_start3A_254 = arith.constant 0 : i32
      %dma_start3A_255 = arith.constant 0 : i32
      %dma_start3A_256 = tpu.memref_slice %arg4[%add3A_253, %dma_start3A_254, %dma_start3A_255] : memref<16384x56x128xf32, #tpu.memory_space<hbm>> -> memref<1x56x128xf32, #tpu.memory_space<hbm>>
      %dma_start3A_257 = tpu.memref_squeeze %dma_start3A_256 : memref<1x56x128xf32, #tpu.memory_space<hbm>> -> memref<56x128xf32, #tpu.memory_space<hbm>>
      %dma_start3A_258 = arith.constant 0 : i32
      %dma_start3A_259 = arith.constant 0 : i32
      %dma_start3A_260 = tpu.memref_slice %arg4[%add3A_253, %dma_start3A_258, %dma_start3A_259] : memref<16384x56x128xf32, #tpu.memory_space<hbm>> -> memref<1x56x128xf32, #tpu.memory_space<hbm>>
      %dma_start3A_261 = tpu.memref_squeeze %dma_start3A_260 : memref<1x56x128xf32, #tpu.memory_space<hbm>> -> memref<56x128xf32, #tpu.memory_space<hbm>>
      tpu.enqueue_dma source(%arg10 : memref<56x128xf32, #tpu.memory_space<vmem>>) target(%dma_start3A_261 : memref<56x128xf32, #tpu.memory_space<hbm>>) target_semaphore(%arg26 : memref<!tpu.dma_semaphore, #tpu.memory_space<semaphore_mem>>)
      %add3A_262 = arith.constant 4 : i32
      %add3A_263 = arith.addi %add3A_245, %add3A_262 : i32
      %ge3A_264 = arith.constant 4 : i32
      %ge3A_265 = arith.cmpi sge, %add3A_245, %ge3A_264 : i32
      %lt3A_266 = arith.constant 512 : i32
      %lt3A_267 = arith.cmpi slt, %add3A_263, %lt3A_266 : i32
      %and3A_268 = arith.andi %ge3A_265, %lt3A_267 : i1
      %convert_element_type3A_269 = arith.extui %and3A_268 : i1 to i32
      %cond3A_270 = arith.constant 0 : i32
      %cond3A_271 = arith.cmpi ne, %convert_element_type3A_269, %cond3A_270 : i32
      scf.if %cond3A_271 {
        %dma_wait3A_362 = arith.constant 0 : i32
        %dma_wait3A_363 = arith.constant 0 : i32
        %dma_wait3A_364 = tpu.memref_slice %arg4[%mul3A_2, %dma_wait3A_362, %dma_wait3A_363] : memref<16384x56x128xf32, #tpu.memory_space<hbm>> -> memref<1x56x128xf32, #tpu.memory_space<hbm>>
        %dma_wait3A_365 = tpu.memref_squeeze %dma_wait3A_364 : memref<1x56x128xf32, #tpu.memory_space<hbm>> -> memref<56x128xf32, #tpu.memory_space<hbm>>
        %dma_wait3A_366 = arith.constant 0 : i32
        %dma_wait3A_367 = arith.constant 0 : i32
        %dma_wait3A_368 = tpu.memref_slice %arg4[%mul3A_2, %dma_wait3A_366, %dma_wait3A_367] : memref<16384x56x128xf32, #tpu.memory_space<hbm>> -> memref<1x56x128xf32, #tpu.memory_space<hbm>>
        %dma_wait3A_369 = tpu.memref_squeeze %dma_wait3A_368 : memref<1x56x128xf32, #tpu.memory_space<hbm>> -> memref<56x128xf32, #tpu.memory_space<hbm>>
        tpu.wait_dma2 semaphore(%arg22 : memref<!tpu.dma_semaphore, #tpu.memory_space<semaphore_mem>>) src(%arg6 : memref<56x128xf32, #tpu.memory_space<vmem>>) dst(%dma_wait3A_369 : memref<56x128xf32, #tpu.memory_space<hbm>>)
        %dma_start3A_370 = arith.constant 0 : i32
        %dma_start3A_371 = tpu.memref_slice %arg5[%add3A_263, %dma_start3A_370] : memref<512x56xi32, #tpu.memory_space<vmem>> -> memref<1x56xi32, #tpu.memory_space<vmem>>
        %dma_start3A_372 = tpu.memref_squeeze %dma_start3A_371 : memref<1x56xi32, #tpu.memory_space<vmem>> -> memref<56xi32, #tpu.memory_space<vmem>>
        %dma_start3A_373 = arith.constant 0 : i32
        %dma_start3A_374 = arith.constant 0 : i32
        %dma_start3A_375 = tpu.memref_slice %arg3[%dma_start3A_373, %dma_start3A_374] : memref<1000000x128xf32, #tpu.memory_space<hbm>> -> memref<1000000x128xf32, #tpu.memory_space<hbm>>
        tpu.enqueue_indirect_dma source(%dma_start3A_375 : memref<1000000x128xf32, #tpu.memory_space<hbm>>) target(%arg6 : memref<56x128xf32, #tpu.memory_space<vmem>>) offsets(%dma_start3A_372 : memref<56xi32, #tpu.memory_space<vmem>>) semaphore(%arg14 : memref<!tpu.dma_semaphore, #tpu.memory_space<semaphore_mem>>)
      } else {
      }
      %mul3A_272 = arith.constant 8 : i32
      %mul3A_273 = arith.muli %scan3A_126, %mul3A_272 : i32
      %add3A_274 = arith.constant 5 : i32
      %add3A_275 = arith.addi %mul3A_273, %add3A_274 : i32
      %dma_wait3A_276 = arith.constant 0 : i32
      %dma_wait3A_277 = arith.constant 0 : i32
      %dma_wait3A_278 = tpu.memref_slice %arg5[%dma_wait3A_276, %dma_wait3A_277] : memref<512x56xi32, #tpu.memory_space<vmem>> -> memref<1x56xi32, #tpu.memory_space<vmem>>
      %dma_wait3A_279 = tpu.memref_squeeze %dma_wait3A_278 : memref<1x56xi32, #tpu.memory_space<vmem>> -> memref<56xi32, #tpu.memory_space<vmem>>
      %dma_wait3A_280 = arith.constant 0 : i32
      %dma_wait3A_281 = arith.constant 0 : i32
      %dma_wait3A_282 = tpu.memref_slice %arg3[%dma_wait3A_280, %dma_wait3A_281] : memref<1000000x128xf32, #tpu.memory_space<hbm>> -> memref<1000000x128xf32, #tpu.memory_space<hbm>>
      tpu.wait_indirect_dma semaphore(%arg19 : memref<!tpu.dma_semaphore, #tpu.memory_space<semaphore_mem>>) src(%dma_wait3A_282 : memref<1000000x128xf32, #tpu.memory_space<hbm>>) dst(%arg11 : memref<56x128xf32, #tpu.memory_space<vmem>>)
      %add3A_283 = arith.addi %mul3A_2, %add3A_275 : i32
      %dma_start3A_284 = arith.constant 0 : i32
      %dma_start3A_285 = arith.constant 0 : i32
      %dma_start3A_286 = tpu.memref_slice %arg4[%add3A_283, %dma_start3A_284, %dma_start3A_285] : memref<16384x56x128xf32, #tpu.memory_space<hbm>> -> memref<1x56x128xf32, #tpu.memory_space<hbm>>
      %dma_start3A_287 = tpu.memref_squeeze %dma_start3A_286 : memref<1x56x128xf32, #tpu.memory_space<hbm>> -> memref<56x128xf32, #tpu.memory_space<hbm>>
      %dma_start3A_288 = arith.constant 0 : i32
      %dma_start3A_289 = arith.constant 0 : i32
      %dma_start3A_290 = tpu.memref_slice %arg4[%add3A_283, %dma_start3A_288, %dma_start3A_289] : memref<16384x56x128xf32, #tpu.memory_space<hbm>> -> memref<1x56x128xf32, #tpu.memory_space<hbm>>
      %dma_start3A_291 = tpu.memref_squeeze %dma_start3A_290 : memref<1x56x128xf32, #tpu.memory_space<hbm>> -> memref<56x128xf32, #tpu.memory_space<hbm>>
      tpu.enqueue_dma source(%arg11 : memref<56x128xf32, #tpu.memory_space<vmem>>) target(%dma_start3A_291 : memref<56x128xf32, #tpu.memory_space<hbm>>) target_semaphore(%arg27 : memref<!tpu.dma_semaphore, #tpu.memory_space<semaphore_mem>>)
      %add3A_292 = arith.constant 4 : i32
      %add3A_293 = arith.addi %add3A_275, %add3A_292 : i32
      %ge3A_294 = arith.constant 4 : i32
      %ge3A_295 = arith.cmpi sge, %add3A_275, %ge3A_294 : i32
      %lt3A_296 = arith.constant 512 : i32
      %lt3A_297 = arith.cmpi slt, %add3A_293, %lt3A_296 : i32
      %and3A_298 = arith.andi %ge3A_295, %lt3A_297 : i1
      %convert_element_type3A_299 = arith.extui %and3A_298 : i1 to i32
      %cond3A_300 = arith.constant 0 : i32
      %cond3A_301 = arith.cmpi ne, %convert_element_type3A_299, %cond3A_300 : i32
      scf.if %cond3A_301 {
        %dma_wait3A_362 = arith.constant 0 : i32
        %dma_wait3A_363 = arith.constant 0 : i32
        %dma_wait3A_364 = tpu.memref_slice %arg4[%mul3A_2, %dma_wait3A_362, %dma_wait3A_363] : memref<16384x56x128xf32, #tpu.memory_space<hbm>> -> memref<1x56x128xf32, #tpu.memory_space<hbm>>
        %dma_wait3A_365 = tpu.memref_squeeze %dma_wait3A_364 : memref<1x56x128xf32, #tpu.memory_space<hbm>> -> memref<56x128xf32, #tpu.memory_space<hbm>>
        %dma_wait3A_366 = arith.constant 0 : i32
        %dma_wait3A_367 = arith.constant 0 : i32
        %dma_wait3A_368 = tpu.memref_slice %arg4[%mul3A_2, %dma_wait3A_366, %dma_wait3A_367] : memref<16384x56x128xf32, #tpu.memory_space<hbm>> -> memref<1x56x128xf32, #tpu.memory_space<hbm>>
        %dma_wait3A_369 = tpu.memref_squeeze %dma_wait3A_368 : memref<1x56x128xf32, #tpu.memory_space<hbm>> -> memref<56x128xf32, #tpu.memory_space<hbm>>
        tpu.wait_dma2 semaphore(%arg23 : memref<!tpu.dma_semaphore, #tpu.memory_space<semaphore_mem>>) src(%arg7 : memref<56x128xf32, #tpu.memory_space<vmem>>) dst(%dma_wait3A_369 : memref<56x128xf32, #tpu.memory_space<hbm>>)
        %dma_start3A_370 = arith.constant 0 : i32
        %dma_start3A_371 = tpu.memref_slice %arg5[%add3A_293, %dma_start3A_370] : memref<512x56xi32, #tpu.memory_space<vmem>> -> memref<1x56xi32, #tpu.memory_space<vmem>>
        %dma_start3A_372 = tpu.memref_squeeze %dma_start3A_371 : memref<1x56xi32, #tpu.memory_space<vmem>> -> memref<56xi32, #tpu.memory_space<vmem>>
        %dma_start3A_373 = arith.constant 0 : i32
        %dma_start3A_374 = arith.constant 0 : i32
        %dma_start3A_375 = tpu.memref_slice %arg3[%dma_start3A_373, %dma_start3A_374] : memref<1000000x128xf32, #tpu.memory_space<hbm>> -> memref<1000000x128xf32, #tpu.memory_space<hbm>>
        tpu.enqueue_indirect_dma source(%dma_start3A_375 : memref<1000000x128xf32, #tpu.memory_space<hbm>>) target(%arg7 : memref<56x128xf32, #tpu.memory_space<vmem>>) offsets(%dma_start3A_372 : memref<56xi32, #tpu.memory_space<vmem>>) semaphore(%arg15 : memref<!tpu.dma_semaphore, #tpu.memory_space<semaphore_mem>>)
      } else {
      }
      %mul3A_302 = arith.constant 8 : i32
      %mul3A_303 = arith.muli %scan3A_126, %mul3A_302 : i32
      %add3A_304 = arith.constant 6 : i32
      %add3A_305 = arith.addi %mul3A_303, %add3A_304 : i32
      %dma_wait3A_306 = arith.constant 0 : i32
      %dma_wait3A_307 = arith.constant 0 : i32
      %dma_wait3A_308 = tpu.memref_slice %arg5[%dma_wait3A_306, %dma_wait3A_307] : memref<512x56xi32, #tpu.memory_space<vmem>> -> memref<1x56xi32, #tpu.memory_space<vmem>>
      %dma_wait3A_309 = tpu.memref_squeeze %dma_wait3A_308 : memref<1x56xi32, #tpu.memory_space<vmem>> -> memref<56xi32, #tpu.memory_space<vmem>>
      %dma_wait3A_310 = arith.constant 0 : i32
      %dma_wait3A_311 = arith.constant 0 : i32
      %dma_wait3A_312 = tpu.memref_slice %arg3[%dma_wait3A_310, %dma_wait3A_311] : memref<1000000x128xf32, #tpu.memory_space<hbm>> -> memref<1000000x128xf32, #tpu.memory_space<hbm>>
      tpu.wait_indirect_dma semaphore(%arg20 : memref<!tpu.dma_semaphore, #tpu.memory_space<semaphore_mem>>) src(%dma_wait3A_312 : memref<1000000x128xf32, #tpu.memory_space<hbm>>) dst(%arg12 : memref<56x128xf32, #tpu.memory_space<vmem>>)
      %add3A_313 = arith.addi %mul3A_2, %add3A_305 : i32
      %dma_start3A_314 = arith.constant 0 : i32
      %dma_start3A_315 = arith.constant 0 : i32
      %dma_start3A_316 = tpu.memref_slice %arg4[%add3A_313, %dma_start3A_314, %dma_start3A_315] : memref<16384x56x128xf32, #tpu.memory_space<hbm>> -> memref<1x56x128xf32, #tpu.memory_space<hbm>>
      %dma_start3A_317 = tpu.memref_squeeze %dma_start3A_316 : memref<1x56x128xf32, #tpu.memory_space<hbm>> -> memref<56x128xf32, #tpu.memory_space<hbm>>
      %dma_start3A_318 = arith.constant 0 : i32
      %dma_start3A_319 = arith.constant 0 : i32
      %dma_start3A_320 = tpu.memref_slice %arg4[%add3A_313, %dma_start3A_318, %dma_start3A_319] : memref<16384x56x128xf32, #tpu.memory_space<hbm>> -> memref<1x56x128xf32, #tpu.memory_space<hbm>>
      %dma_start3A_321 = tpu.memref_squeeze %dma_start3A_320 : memref<1x56x128xf32, #tpu.memory_space<hbm>> -> memref<56x128xf32, #tpu.memory_space<hbm>>
      tpu.enqueue_dma source(%arg12 : memref<56x128xf32, #tpu.memory_space<vmem>>) target(%dma_start3A_321 : memref<56x128xf32, #tpu.memory_space<hbm>>) target_semaphore(%arg28 : memref<!tpu.dma_semaphore, #tpu.memory_space<semaphore_mem>>)
      %add3A_322 = arith.constant 4 : i32
      %add3A_323 = arith.addi %add3A_305, %add3A_322 : i32
      %ge3A_324 = arith.constant 4 : i32
      %ge3A_325 = arith.cmpi sge, %add3A_305, %ge3A_324 : i32
      %lt3A_326 = arith.constant 512 : i32
      %lt3A_327 = arith.cmpi slt, %add3A_323, %lt3A_326 : i32
      %and3A_328 = arith.andi %ge3A_325, %lt3A_327 : i1
      %convert_element_type3A_329 = arith.extui %and3A_328 : i1 to i32
      %cond3A_330 = arith.constant 0 : i32
      %cond3A_331 = arith.cmpi ne, %convert_element_type3A_329, %cond3A_330 : i32
      scf.if %cond3A_331 {
        %dma_wait3A_362 = arith.constant 0 : i32
        %dma_wait3A_363 = arith.constant 0 : i32
        %dma_wait3A_364 = tpu.memref_slice %arg4[%mul3A_2, %dma_wait3A_362, %dma_wait3A_363] : memref<16384x56x128xf32, #tpu.memory_space<hbm>> -> memref<1x56x128xf32, #tpu.memory_space<hbm>>
        %dma_wait3A_365 = tpu.memref_squeeze %dma_wait3A_364 : memref<1x56x128xf32, #tpu.memory_space<hbm>> -> memref<56x128xf32, #tpu.memory_space<hbm>>
        %dma_wait3A_366 = arith.constant 0 : i32
        %dma_wait3A_367 = arith.constant 0 : i32
        %dma_wait3A_368 = tpu.memref_slice %arg4[%mul3A_2, %dma_wait3A_366, %dma_wait3A_367] : memref<16384x56x128xf32, #tpu.memory_space<hbm>> -> memref<1x56x128xf32, #tpu.memory_space<hbm>>
        %dma_wait3A_369 = tpu.memref_squeeze %dma_wait3A_368 : memref<1x56x128xf32, #tpu.memory_space<hbm>> -> memref<56x128xf32, #tpu.memory_space<hbm>>
        tpu.wait_dma2 semaphore(%arg24 : memref<!tpu.dma_semaphore, #tpu.memory_space<semaphore_mem>>) src(%arg8 : memref<56x128xf32, #tpu.memory_space<vmem>>) dst(%dma_wait3A_369 : memref<56x128xf32, #tpu.memory_space<hbm>>)
        %dma_start3A_370 = arith.constant 0 : i32
        %dma_start3A_371 = tpu.memref_slice %arg5[%add3A_323, %dma_start3A_370] : memref<512x56xi32, #tpu.memory_space<vmem>> -> memref<1x56xi32, #tpu.memory_space<vmem>>
        %dma_start3A_372 = tpu.memref_squeeze %dma_start3A_371 : memref<1x56xi32, #tpu.memory_space<vmem>> -> memref<56xi32, #tpu.memory_space<vmem>>
        %dma_start3A_373 = arith.constant 0 : i32
        %dma_start3A_374 = arith.constant 0 : i32
        %dma_start3A_375 = tpu.memref_slice %arg3[%dma_start3A_373, %dma_start3A_374] : memref<1000000x128xf32, #tpu.memory_space<hbm>> -> memref<1000000x128xf32, #tpu.memory_space<hbm>>
        tpu.enqueue_indirect_dma source(%dma_start3A_375 : memref<1000000x128xf32, #tpu.memory_space<hbm>>) target(%arg8 : memref<56x128xf32, #tpu.memory_space<vmem>>) offsets(%dma_start3A_372 : memref<56xi32, #tpu.memory_space<vmem>>) semaphore(%arg16 : memref<!tpu.dma_semaphore, #tpu.memory_space<semaphore_mem>>)
      } else {
      }
      %mul3A_332 = arith.constant 8 : i32
      %mul3A_333 = arith.muli %scan3A_126, %mul3A_332 : i32
      %add3A_334 = arith.constant 7 : i32
      %add3A_335 = arith.addi %mul3A_333, %add3A_334 : i32
      %dma_wait3A_336 = arith.constant 0 : i32
      %dma_wait3A_337 = arith.constant 0 : i32
      %dma_wait3A_338 = tpu.memref_slice %arg5[%dma_wait3A_336, %dma_wait3A_337] : memref<512x56xi32, #tpu.memory_space<vmem>> -> memref<1x56xi32, #tpu.memory_space<vmem>>
      %dma_wait3A_339 = tpu.memref_squeeze %dma_wait3A_338 : memref<1x56xi32, #tpu.memory_space<vmem>> -> memref<56xi32, #tpu.memory_space<vmem>>
      %dma_wait3A_340 = arith.constant 0 : i32
      %dma_wait3A_341 = arith.constant 0 : i32
      %dma_wait3A_342 = tpu.memref_slice %arg3[%dma_wait3A_340, %dma_wait3A_341] : memref<1000000x128xf32, #tpu.memory_space<hbm>> -> memref<1000000x128xf32, #tpu.memory_space<hbm>>
      tpu.wait_indirect_dma semaphore(%arg21 : memref<!tpu.dma_semaphore, #tpu.memory_space<semaphore_mem>>) src(%dma_wait3A_342 : memref<1000000x128xf32, #tpu.memory_space<hbm>>) dst(%arg13 : memref<56x128xf32, #tpu.memory_space<vmem>>)
      %add3A_343 = arith.addi %mul3A_2, %add3A_335 : i32
      %dma_start3A_344 = arith.constant 0 : i32
      %dma_start3A_345 = arith.constant 0 : i32
      %dma_start3A_346 = tpu.memref_slice %arg4[%add3A_343, %dma_start3A_344, %dma_start3A_345] : memref<16384x56x128xf32, #tpu.memory_space<hbm>> -> memref<1x56x128xf32, #tpu.memory_space<hbm>>
      %dma_start3A_347 = tpu.memref_squeeze %dma_start3A_346 : memref<1x56x128xf32, #tpu.memory_space<hbm>> -> memref<56x128xf32, #tpu.memory_space<hbm>>
      %dma_start3A_348 = arith.constant 0 : i32
      %dma_start3A_349 = arith.constant 0 : i32
      %dma_start3A_350 = tpu.memref_slice %arg4[%add3A_343, %dma_start3A_348, %dma_start3A_349] : memref<16384x56x128xf32, #tpu.memory_space<hbm>> -> memref<1x56x128xf32, #tpu.memory_space<hbm>>
      %dma_start3A_351 = tpu.memref_squeeze %dma_start3A_350 : memref<1x56x128xf32, #tpu.memory_space<hbm>> -> memref<56x128xf32, #tpu.memory_space<hbm>>
      tpu.enqueue_dma source(%arg13 : memref<56x128xf32, #tpu.memory_space<vmem>>) target(%dma_start3A_351 : memref<56x128xf32, #tpu.memory_space<hbm>>) target_semaphore(%arg29 : memref<!tpu.dma_semaphore, #tpu.memory_space<semaphore_mem>>)
      %add3A_352 = arith.constant 4 : i32
      %add3A_353 = arith.addi %add3A_335, %add3A_352 : i32
      %ge3A_354 = arith.constant 4 : i32
      %ge3A_355 = arith.cmpi sge, %add3A_335, %ge3A_354 : i32
      %lt3A_356 = arith.constant 512 : i32
      %lt3A_357 = arith.cmpi slt, %add3A_353, %lt3A_356 : i32
      %and3A_358 = arith.andi %ge3A_355, %lt3A_357 : i1
      %convert_element_type3A_359 = arith.extui %and3A_358 : i1 to i32
      %cond3A_360 = arith.constant 0 : i32
      %cond3A_361 = arith.cmpi ne, %convert_element_type3A_359, %cond3A_360 : i32
      scf.if %cond3A_361 {
        %dma_wait3A_362 = arith.constant 0 : i32
        %dma_wait3A_363 = arith.constant 0 : i32
        %dma_wait3A_364 = tpu.memref_slice %arg4[%mul3A_2, %dma_wait3A_362, %dma_wait3A_363] : memref<16384x56x128xf32, #tpu.memory_space<hbm>> -> memref<1x56x128xf32, #tpu.memory_space<hbm>>
        %dma_wait3A_365 = tpu.memref_squeeze %dma_wait3A_364 : memref<1x56x128xf32, #tpu.memory_space<hbm>> -> memref<56x128xf32, #tpu.memory_space<hbm>>
        %dma_wait3A_366 = arith.constant 0 : i32
        %dma_wait3A_367 = arith.constant 0 : i32
        %dma_wait3A_368 = tpu.memref_slice %arg4[%mul3A_2, %dma_wait3A_366, %dma_wait3A_367] : memref<16384x56x128xf32, #tpu.memory_space<hbm>> -> memref<1x56x128xf32, #tpu.memory_space<hbm>>
        %dma_wait3A_369 = tpu.memref_squeeze %dma_wait3A_368 : memref<1x56x128xf32, #tpu.memory_space<hbm>> -> memref<56x128xf32, #tpu.memory_space<hbm>>
        tpu.wait_dma2 semaphore(%arg25 : memref<!tpu.dma_semaphore, #tpu.memory_space<semaphore_mem>>) src(%arg9 : memref<56x128xf32, #tpu.memory_space<vmem>>) dst(%dma_wait3A_369 : memref<56x128xf32, #tpu.memory_space<hbm>>)
        %dma_start3A_370 = arith.constant 0 : i32
        %dma_start3A_371 = tpu.memref_slice %arg5[%add3A_353, %dma_start3A_370] : memref<512x56xi32, #tpu.memory_space<vmem>> -> memref<1x56xi32, #tpu.memory_space<vmem>>
        %dma_start3A_372 = tpu.memref_squeeze %dma_start3A_371 : memref<1x56xi32, #tpu.memory_space<vmem>> -> memref<56xi32, #tpu.memory_space<vmem>>
        %dma_start3A_373 = arith.constant 0 : i32
        %dma_start3A_374 = arith.constant 0 : i32
        %dma_start3A_375 = tpu.memref_slice %arg3[%dma_start3A_373, %dma_start3A_374] : memref<1000000x128xf32, #tpu.memory_space<hbm>> -> memref<1000000x128xf32, #tpu.memory_space<hbm>>
        tpu.enqueue_indirect_dma source(%dma_start3A_375 : memref<1000000x128xf32, #tpu.memory_space<hbm>>) target(%arg9 : memref<56x128xf32, #tpu.memory_space<vmem>>) offsets(%dma_start3A_372 : memref<56xi32, #tpu.memory_space<vmem>>) semaphore(%arg17 : memref<!tpu.dma_semaphore, #tpu.memory_space<semaphore_mem>>)
      } else {
      }
    }
    %scan3A_62 = arith.constant 64 : i32
    %dma_wait3A = arith.constant 0 : i32
    %dma_wait3A_63 = arith.constant 0 : i32
    %dma_wait3A_64 = tpu.memref_slice %arg4[%mul3A_2, %dma_wait3A, %dma_wait3A_63] : memref<16384x56x128xf32, #tpu.memory_space<hbm>> -> memref<1x56x128xf32, #tpu.memory_space<hbm>>
    %dma_wait3A_65 = tpu.memref_squeeze %dma_wait3A_64 : memref<1x56x128xf32, #tpu.memory_space<hbm>> -> memref<56x128xf32, #tpu.memory_space<hbm>>
    %dma_wait3A_66 = arith.constant 0 : i32
    %dma_wait3A_67 = arith.constant 0 : i32
    %dma_wait3A_68 = tpu.memref_slice %arg4[%mul3A_2, %dma_wait3A_66, %dma_wait3A_67] : memref<16384x56x128xf32, #tpu.memory_space<hbm>> -> memref<1x56x128xf32, #tpu.memory_space<hbm>>
    %dma_wait3A_69 = tpu.memref_squeeze %dma_wait3A_68 : memref<1x56x128xf32, #tpu.memory_space<hbm>> -> memref<56x128xf32, #tpu.memory_space<hbm>>
    tpu.wait_dma2 semaphore(%arg22 : memref<!tpu.dma_semaphore, #tpu.memory_space<semaphore_mem>>) src(%arg6 : memref<56x128xf32, #tpu.memory_space<vmem>>) dst(%dma_wait3A_69 : memref<56x128xf32, #tpu.memory_space<hbm>>)
    %dma_wait3A_70 = arith.constant 0 : i32
    %dma_wait3A_71 = arith.constant 0 : i32
    %dma_wait3A_72 = tpu.memref_slice %arg4[%mul3A_2, %dma_wait3A_70, %dma_wait3A_71] : memref<16384x56x128xf32, #tpu.memory_space<hbm>> -> memref<1x56x128xf32, #tpu.memory_space<hbm>>
    %dma_wait3A_73 = tpu.memref_squeeze %dma_wait3A_72 : memref<1x56x128xf32, #tpu.memory_space<hbm>> -> memref<56x128xf32, #tpu.memory_space<hbm>>
    %dma_wait3A_74 = arith.constant 0 : i32
    %dma_wait3A_75 = arith.constant 0 : i32
    %dma_wait3A_76 = tpu.memref_slice %arg4[%mul3A_2, %dma_wait3A_74, %dma_wait3A_75] : memref<16384x56x128xf32, #tpu.memory_space<hbm>> -> memref<1x56x128xf32, #tpu.memory_space<hbm>>
    %dma_wait3A_77 = tpu.memref_squeeze %dma_wait3A_76 : memref<1x56x128xf32, #tpu.memory_space<hbm>> -> memref<56x128xf32, #tpu.memory_space<hbm>>
    tpu.wait_dma2 semaphore(%arg23 : memref<!tpu.dma_semaphore, #tpu.memory_space<semaphore_mem>>) src(%arg7 : memref<56x128xf32, #tpu.memory_space<vmem>>) dst(%dma_wait3A_77 : memref<56x128xf32, #tpu.memory_space<hbm>>)
    %dma_wait3A_78 = arith.constant 0 : i32
    %dma_wait3A_79 = arith.constant 0 : i32
    %dma_wait3A_80 = tpu.memref_slice %arg4[%mul3A_2, %dma_wait3A_78, %dma_wait3A_79] : memref<16384x56x128xf32, #tpu.memory_space<hbm>> -> memref<1x56x128xf32, #tpu.memory_space<hbm>>
    %dma_wait3A_81 = tpu.memref_squeeze %dma_wait3A_80 : memref<1x56x128xf32, #tpu.memory_space<hbm>> -> memref<56x128xf32, #tpu.memory_space<hbm>>
    %dma_wait3A_82 = arith.constant 0 : i32
    %dma_wait3A_83 = arith.constant 0 : i32
    %dma_wait3A_84 = tpu.memref_slice %arg4[%mul3A_2, %dma_wait3A_82, %dma_wait3A_83] : memref<16384x56x128xf32, #tpu.memory_space<hbm>> -> memref<1x56x128xf32, #tpu.memory_space<hbm>>
    %dma_wait3A_85 = tpu.memref_squeeze %dma_wait3A_84 : memref<1x56x128xf32, #tpu.memory_space<hbm>> -> memref<56x128xf32, #tpu.memory_space<hbm>>
    tpu.wait_dma2 semaphore(%arg24 : memref<!tpu.dma_semaphore, #tpu.memory_space<semaphore_mem>>) src(%arg8 : memref<56x128xf32, #tpu.memory_space<vmem>>) dst(%dma_wait3A_85 : memref<56x128xf32, #tpu.memory_space<hbm>>)
    %dma_wait3A_86 = arith.constant 0 : i32
    %dma_wait3A_87 = arith.constant 0 : i32
    %dma_wait3A_88 = tpu.memref_slice %arg4[%mul3A_2, %dma_wait3A_86, %dma_wait3A_87] : memref<16384x56x128xf32, #tpu.memory_space<hbm>> -> memref<1x56x128xf32, #tpu.memory_space<hbm>>
    %dma_wait3A_89 = tpu.memref_squeeze %dma_wait3A_88 : memref<1x56x128xf32, #tpu.memory_space<hbm>> -> memref<56x128xf32, #tpu.memory_space<hbm>>
    %dma_wait3A_90 = arith.constant 0 : i32
    %dma_wait3A_91 = arith.constant 0 : i32
    %dma_wait3A_92 = tpu.memref_slice %arg4[%mul3A_2, %dma_wait3A_90, %dma_wait3A_91] : memref<16384x56x128xf32, #tpu.memory_space<hbm>> -> memref<1x56x128xf32, #tpu.memory_space<hbm>>
    %dma_wait3A_93 = tpu.memref_squeeze %dma_wait3A_92 : memref<1x56x128xf32, #tpu.memory_space<hbm>> -> memref<56x128xf32, #tpu.memory_space<hbm>>
    tpu.wait_dma2 semaphore(%arg25 : memref<!tpu.dma_semaphore, #tpu.memory_space<semaphore_mem>>) src(%arg9 : memref<56x128xf32, #tpu.memory_space<vmem>>) dst(%dma_wait3A_93 : memref<56x128xf32, #tpu.memory_space<hbm>>)
    %dma_wait3A_94 = arith.constant 0 : i32
    %dma_wait3A_95 = arith.constant 0 : i32
    %dma_wait3A_96 = tpu.memref_slice %arg4[%mul3A_2, %dma_wait3A_94, %dma_wait3A_95] : memref<16384x56x128xf32, #tpu.memory_space<hbm>> -> memref<1x56x128xf32, #tpu.memory_space<hbm>>
    %dma_wait3A_97 = tpu.memref_squeeze %dma_wait3A_96 : memref<1x56x128xf32, #tpu.memory_space<hbm>> -> memref<56x128xf32, #tpu.memory_space<hbm>>
    %dma_wait3A_98 = arith.constant 0 : i32
    %dma_wait3A_99 = arith.constant 0 : i32
    %dma_wait3A_100 = tpu.memref_slice %arg4[%mul3A_2, %dma_wait3A_98, %dma_wait3A_99] : memref<16384x56x128xf32, #tpu.memory_space<hbm>> -> memref<1x56x128xf32, #tpu.memory_space<hbm>>
    %dma_wait3A_101 = tpu.memref_squeeze %dma_wait3A_100 : memref<1x56x128xf32, #tpu.memory_space<hbm>> -> memref<56x128xf32, #tpu.memory_space<hbm>>
    tpu.wait_dma2 semaphore(%arg26 : memref<!tpu.dma_semaphore, #tpu.memory_space<semaphore_mem>>) src(%arg10 : memref<56x128xf32, #tpu.memory_space<vmem>>) dst(%dma_wait3A_101 : memref<56x128xf32, #tpu.memory_space<hbm>>)
    %dma_wait3A_102 = arith.constant 0 : i32
    %dma_wait3A_103 = arith.constant 0 : i32
    %dma_wait3A_104 = tpu.memref_slice %arg4[%mul3A_2, %dma_wait3A_102, %dma_wait3A_103] : memref<16384x56x128xf32, #tpu.memory_space<hbm>> -> memref<1x56x128xf32, #tpu.memory_space<hbm>>
    %dma_wait3A_105 = tpu.memref_squeeze %dma_wait3A_104 : memref<1x56x128xf32, #tpu.memory_space<hbm>> -> memref<56x128xf32, #tpu.memory_space<hbm>>
    %dma_wait3A_106 = arith.constant 0 : i32
    %dma_wait3A_107 = arith.constant 0 : i32
    %dma_wait3A_108 = tpu.memref_slice %arg4[%mul3A_2, %dma_wait3A_106, %dma_wait3A_107] : memref<16384x56x128xf32, #tpu.memory_space<hbm>> -> memref<1x56x128xf32, #tpu.memory_space<hbm>>
    %dma_wait3A_109 = tpu.memref_squeeze %dma_wait3A_108 : memref<1x56x128xf32, #tpu.memory_space<hbm>> -> memref<56x128xf32, #tpu.memory_space<hbm>>
    tpu.wait_dma2 semaphore(%arg27 : memref<!tpu.dma_semaphore, #tpu.memory_space<semaphore_mem>>) src(%arg11 : memref<56x128xf32, #tpu.memory_space<vmem>>) dst(%dma_wait3A_109 : memref<56x128xf32, #tpu.memory_space<hbm>>)
    %dma_wait3A_110 = arith.constant 0 : i32
    %dma_wait3A_111 = arith.constant 0 : i32
    %dma_wait3A_112 = tpu.memref_slice %arg4[%mul3A_2, %dma_wait3A_110, %dma_wait3A_111] : memref<16384x56x128xf32, #tpu.memory_space<hbm>> -> memref<1x56x128xf32, #tpu.memory_space<hbm>>
    %dma_wait3A_113 = tpu.memref_squeeze %dma_wait3A_112 : memref<1x56x128xf32, #tpu.memory_space<hbm>> -> memref<56x128xf32, #tpu.memory_space<hbm>>
    %dma_wait3A_114 = arith.constant 0 : i32
    %dma_wait3A_115 = arith.constant 0 : i32
    %dma_wait3A_116 = tpu.memref_slice %arg4[%mul3A_2, %dma_wait3A_114, %dma_wait3A_115] : memref<16384x56x128xf32, #tpu.memory_space<hbm>> -> memref<1x56x128xf32, #tpu.memory_space<hbm>>
    %dma_wait3A_117 = tpu.memref_squeeze %dma_wait3A_116 : memref<1x56x128xf32, #tpu.memory_space<hbm>> -> memref<56x128xf32, #tpu.memory_space<hbm>>
    tpu.wait_dma2 semaphore(%arg28 : memref<!tpu.dma_semaphore, #tpu.memory_space<semaphore_mem>>) src(%arg12 : memref<56x128xf32, #tpu.memory_space<vmem>>) dst(%dma_wait3A_117 : memref<56x128xf32, #tpu.memory_space<hbm>>)
    %dma_wait3A_118 = arith.constant 0 : i32
    %dma_wait3A_119 = arith.constant 0 : i32
    %dma_wait3A_120 = tpu.memref_slice %arg4[%mul3A_2, %dma_wait3A_118, %dma_wait3A_119] : memref<16384x56x128xf32, #tpu.memory_space<hbm>> -> memref<1x56x128xf32, #tpu.memory_space<hbm>>
    %dma_wait3A_121 = tpu.memref_squeeze %dma_wait3A_120 : memref<1x56x128xf32, #tpu.memory_space<hbm>> -> memref<56x128xf32, #tpu.memory_space<hbm>>
    %dma_wait3A_122 = arith.constant 0 : i32
    %dma_wait3A_123 = arith.constant 0 : i32
    %dma_wait3A_124 = tpu.memref_slice %arg4[%mul3A_2, %dma_wait3A_122, %dma_wait3A_123] : memref<16384x56x128xf32, #tpu.memory_space<hbm>> -> memref<1x56x128xf32, #tpu.memory_space<hbm>>
    %dma_wait3A_125 = tpu.memref_squeeze %dma_wait3A_124 : memref<1x56x128xf32, #tpu.memory_space<hbm>> -> memref<56x128xf32, #tpu.memory_space<hbm>>
    tpu.wait_dma2 semaphore(%arg29 : memref<!tpu.dma_semaphore, #tpu.memory_space<semaphore_mem>>) src(%arg13 : memref<56x128xf32, #tpu.memory_space<vmem>>) dst(%dma_wait3A_125 : memref<56x128xf32, #tpu.memory_space<hbm>>)
    return
  }
}

</mosaic_0001>

<sc_bundles>
// kernel: kernel.3.cloned.1.call-start
scs
__scs_entry_jumppad:
0x0: {  	(pc) =	sbr.rel $0x88, $3  }
0x1: {  	(tag) =	ssettag $0x0;
	lr =	simm.s32 $0x1  }
0x2: {  	[smem:$0x3F9F] =	sst lr;
	_ =	strace $0xD0000000  }
0x3: {  	_ = 	snop  }
0x4: {  	_ = 	snop  }
0x5: {  	_ = 	snop  }
0x6: {  	_ = 	snop  }
0x7: {  	_ = 	snop  }
__scs_overlays_trampoline_lowered:
0x8: {  	[smem:$0x3FAE] =	sst s0  }
0x9: {  	[smem:$0x3FAF] =	sst s1  }
0xa: {  	[smem:$0x3FB0] =	sst s2  }
0xb: {  	[smem:$0x3FB1] =	sst s3  }
0xc: {  	[smem:$0x3FB2] =	sst s4  }
0xd: {  	[smem:$0x3FB3] =	sst s5  }
0xe: {  	[smem:$0x3FB4] =	sst s6  }
0xf: {  	[smem:$0x3FB5] =	sst s7  }
0x10: {  	[smem:$0x3FB6] =	sst s8  }
0x11: {  	[smem:$0x3FB7] =	sst s9;
	s0 =	simm.s32 @!p0 $0x0  }
0x12: {  	s1 =	sld [smem:$0x3F9D];
	s0 =	simm.s32 @p0 $0x1  }
0x13: {  	[smem:$0x3FB8] =	sst s0;
	s0 =	simm.s32 @!p1 $0x0  }
0x14: {  	s2 =	sld [smem:$0x3F9C];
	s0 =	simm.s32 @p1 $0x1  }
0x15: {  	[smem:$0x3FB9] =	sst s0;
	s0 =	simm.s32 @!p2 $0x0  }
0x16: {  	s3 =	sld [smem:$0x3FDB];
	s0 =	simm.s32 @p2 $0x1  }
0x17: {  	s4 =	simm.s32 $0x1BF5;
	[smem:$0x3FBB] =	sst s0  }
0x18: {  	s0 =	sld [smem:$0x3F9E];
	_ =	swait.ge [sflag:s4], $0x0  }
0x19: {  	s7 =	sld [smem:$0x3F9F]  }
0x1a: {  	s8 =	sadd.s32 $0xFFFFE003, lr  }
0x1b: {  	s9 =	sadd.s32 $0xFFFFFEF7, lr;
	s5 =	simm.s32 $0xFFFFFFFF;
	p2 =	slt.u32 s8, $0xFFFFF086  }
0x1c: {  	p1 =	slt.u32 s9, $0xF7A;
	s5 =	simm.s32 @!p2 $0x0  }
0x1d: {  	s5 =	simm.s32 @p1 $0x1;
	p0 =	seq.s32 s7, s2  }
0x1e: {  	s7 =	smul.u32 @!p0 $0xF7A, s2;
	p2 =	seq.s32 @!p0 s5, $0x0  }
0x1f: {  	s9 =	smul.u32 $0xF7A, s1;
	s8 =	simm.s32 @!p0 $0x1BF5;
	p2 =	por !p2, p0  }
0x20: {  	[sflag:s8] =	ssyncset.s32 @!p0 $0xFFFFF086;
	s6 =	sadd.s32 @!p0 s3, s7;
	s7 =	simm.s32 @!p0 $0x108  }
0x21: {  	s3 =	sadd.s32 s3, s9;
	s6 =	sadd.s32 @!p0 $0x88, s6;
	s7 =	simm.s32 @p2 $0x1082  }
0x22: {  	[simem:s7], [sflag:s8] =	dma.local @!p0 [hbm:s6], $0xF7A  }
0x23: {  	s9 =	sor.u32 $0xD0000000, s2;
	s6 =	simm.s32 $0x108;
	_ =	swait.ge @!p0 [sflag:s8], $0x0  }
0x24: {  	s3 =	sadd.s32 $0x88, s3;
	s6 =	simm.s32 @!p1 $0x1082;
	[sflag:s4] =	ssyncset.s32 $0xFFFFF086  }
0x25: {  	[simem:s6], [sflag:s4] =	dma.local [hbm:s3], $0xF7A  }
0x26: {  	[smem:$0x3F9F] =	sst s1;
	(tag) =	ssettag s2;
	_ =	strace s9  }
0x27: {  	s1 =	sld [smem:$0x3FAF]  }
0x28: {  	s2 =	sld [smem:$0x3FB0]  }
0x29: {  	s4 =	sld [smem:$0x3FB2]  }
0x2a: {  	p0 =	seq.s32 s5, $0x0;
	s5 =	sld [smem:$0x3FB3]  }
0x2b: {  	s6 =	sld [smem:$0x3FB4]  }
0x2c: {  	s7 =	sld [smem:$0x3FB5]  }
0x2d: {  	s3 =	simm.s32 $0x108;
	s8 =	sld [smem:$0x3FB6]  }
0x2e: {  	s3 =	simm.s32 @!p0 $0x1082;
	s9 =	sld [smem:$0x3FB7]  }
0x2f: {  	lr =	sadd.s32 s0, s3;
	s0 =	sld [smem:$0x3FAE]  }
0x30: {  	s3 =	sld [smem:$0x3FB1]  }
0x31: {  	[smem:$0x3FBA] =	sst s10  }
0x32: {  	s10 =	sld [smem:$0x3FB8];
	_ =	sdelay $0x3  }
0x33: {  	p0 =	seq.s32 s10, $0x1;
	s10 =	sld [smem:$0x3FBA];
	_ =	sdelay $0x3  }
0x34: {  	[smem:$0x3FBA] =	sst s10  }
0x35: {  	s10 =	sld [smem:$0x3FB9];
	_ =	sdelay $0x3  }
0x36: {  	p1 =	seq.s32 s10, $0x1;
	s10 =	sld [smem:$0x3FBA];
	_ =	sdelay $0x3  }
0x37: {  	[smem:$0x3FBA] =	sst s10  }
0x38: {  	s10 =	sld [smem:$0x3FBB]  }
0x39: {  	_ = 	snop;
	(pc) =	sbr.ind lr, $3  }
0x3a: {  	_ = 	snop  }
0x3b: {  	_ = 	snop  }
0x3c: {  	p2 =	seq.s32 s10, $0x1;
	s10 =	sld [smem:$0x3FBA]  }
0x3d: {  	_ =	shalt  }
0x3e: {  	_ =	shalt  }
0x3f: {  	_ =	shalt  }
0x40: {  	_ =	shalt  }
0x41: {  	_ =	shalt  }
0x42: {  	_ =	shalt  }
0x43: {  	_ =	shalt  }
0x44: {  	_ =	shalt  }
0x45: {  	_ =	shalt  }
0x46: {  	_ =	shalt  }
0x47: {  	_ =	shalt  }
0x48: {  	_ =	shalt  }
0x49: {  	_ =	shalt  }
0x4a: {  	_ =	shalt  }
0x4b: {  	_ =	shalt  }
0x4c: {  	_ =	shalt  }
0x4d: {  	_ =	shalt  }
0x4e: {  	_ =	shalt  }
0x4f: {  	_ =	shalt  }
0x50: {  	_ =	shalt  }
0x51: {  	_ =	shalt  }
0x52: {  	_ =	shalt  }
0x53: {  	_ =	shalt  }
0x54: {  	_ =	shalt  }
0x55: {  	_ =	shalt  }
0x56: {  	_ =	shalt  }
0x57: {  	_ =	shalt  }
0x58: {  	_ =	shalt  }
0x59: {  	_ =	shalt  }
0x5a: {  	_ =	shalt  }
0x5b: {  	_ =	shalt  }
0x5c: {  	_ =	shalt  }
0x5d: {  	_ =	shalt  }
0x5e: {  	_ =	shalt  }
0x5f: {  	_ =	shalt  }
0x60: {  	_ =	shalt  }
0x61: {  	_ =	shalt  }
0x62: {  	_ =	shalt  }
0x63: {  	_ =	shalt  }
0x64: {  	_ =	shalt  }
0x65: {  	_ =	shalt  }
0x66: {  	_ =	shalt  }
0x67: {  	_ =	shalt  }
0x68: {  	_ =	shalt  }
0x69: {  	_ =	shalt  }
0x6a: {  	_ =	shalt  }
0x6b: {  	_ =	shalt  }
0x6c: {  	_ =	shalt  }
0x6d: {  	_ =	shalt  }
0x6e: {  	_ =	shalt  }
0x6f: {  	_ =	shalt  }
0x70: {  	_ =	shalt  }
0x71: {  	_ =	shalt  }
0x72: {  	_ =	shalt  }
0x73: {  	_ =	shalt  }
0x74: {  	_ =	shalt  }
0x75: {  	_ =	shalt  }
0x76: {  	_ =	shalt  }
0x77: {  	_ =	shalt  }
0x78: {  	_ =	shalt  }
0x79: {  	_ =	shalt  }
0x7a: {  	_ =	shalt  }
0x7b: {  	_ =	shalt  }
0x7c: {  	_ =	shalt  }
0x7d: {  	_ =	shalt  }
0x7e: {  	_ =	shalt  }
0x7f: {  	_ =	shalt  }
0x80: {  	_ =	shalt  }
0x81: {  	_ =	shalt  }
0x82: {  	_ =	shalt  }
0x83: {  	_ =	shalt  }
0x84: {  	_ =	shalt  }
0x85: {  	_ =	shalt  }
0x86: {  	_ =	shalt  }
0x87: {  	_ =	shalt  }
.Lfunc_end0:
.L_simem_size_0:
called_computation.1_lowered:
.L_overlay_start_0:
0x88: {  	s2 =	sld [smem:$0x3FD9]  }
0x89: {  	s3 =	sld [smem:$0x3FFE];
	_ =	sdelay $0x1  }
0x8a: {  	s1 =	srdreg.scid  }
0x8b: {  	s0 =	sand.u32 $0x1, s1  }
0x8c: {  	s17 =	sshll.u32 s0, $0xA;
	s2 =	sadd.s32 s3, s2  }
0x8d: {  	s2 =	sadd.s32 s2, s17  }
0x8e: {  	[smem:$0x3FC6] =	sst s2  }
0x8f: {  	_ = 	snop  }
0x90: {  	s2 =	sld [smem:$0x3FD0];
	(tm) =	ssettm $0x1  }
0x91: {  	s18 =	sld [smem:$0x3FFB];
	_ =	sdelay $0x3  }
0x92: {  	_ =	strace s18  }
0x93: {  	s3 =	sld [smem:$0x3FFC];
	_ =	sdelay $0x3  }
0x94: {  	_ =	strace s3  }
0x95: {  	s3 =	sld [smem:$0x3FFD];
	_ =	sdelay $0x3  }
0x96: {  	_ =	strace s3  }
0x97: {  	_ =	strace $0x8FFFFFFF  }
0x98: {  	s19 =	sld [smem:$0x3FDB];
	_ =	sdelay $0x1  }
0x99: {  	s4 =	simm.s32 $_scs_section_size  }
0x9a: {  	s5 =	simm.s32 $_size__tile_overlayer_lowered;
	s6 =	simm.s32 $_tile_overlayer_lowered  }
0x9b: {  	s22 =	simm.s32 $0x1BFF;
	s21 =	sshll.u32 s6, $0x1;
	s3 =	sadd.s32 s4, s19  }
0x9c: {  	s7 =	simm.s32 $0x0;
	s20 =	sshll.u32 s5, $0x1;
	s5 =	sadd.s32 s21, s3  }
0x9d: {  	[timem:s7], [sflag:s22] =	dma.local [hbm:s5], s20  }
0x9e: {  	_ =	swait.ge [sflag:s22], s20  }
0x9f: {  	s4 =	ssub.s32 $0x0, s20;
	[sflag:s22] =	ssyncset.done $0x0  }
0xa0: {  	[sflag:s22] =	ssyncadd.s32 s4;
	_ =	sdelay $0x1  }
0xa1: {  	s23 =	simm.s32 $0x1B8B  }
0xa2: {  	_ =	swait.ge [sflag:s23], $0x1  }
0xa3: {  	[sflag:s23] =	ssyncset.done $0x0  }
0xa4: {  	s25 =	simm.s32 $0x1B8E;
	s24 =	sld [smem:$0x3FFE];
	[sflag:s23] =	ssyncadd.s32 $0xFFFFFFFF  }
0xa5: {  	s26 =	simm.s32 $execute0_lowered;
	[smem:$0x3FD2] =	sst s25  }
0xa6: {  	s5 =	sshll.u32 s26, $0x1;
	_ =	strace $0x80000046;
	[dreg:$0x1] =	wrdreg $0xFFFFFFFF  }
0xa7: {  	s28 =	simm.s32 $_size_execute0_lowered;
	s3 =	sadd.s32 s3, s5;
	[dreg:$0x0] =	wrdreg $0x0  }
0xa8: {  	s5 =	sshll.u32 s28, $0x1;
	[dreg:$0x2] =	wrdreg s3  }
0xa9: {  	[dreg:$0x3] =	wrdreg s5  }
0xaa: {  	[dreg:$0x4] =	wrdreg $0xC0  }
0xab: {  	_ =	task [dreg:s7], $0x5FFFF  }
0xac: {  	[dreg:$0x1] =	wrdreg $0xFFFFFFFF  }
0xad: {  	[dreg:$0x0] =	wrdreg $0x60  }
0xae: {  	[dreg:$0x2] =	wrdreg s2  }
0xaf: {  	[dreg:$0x3] =	wrdreg s24  }
0xb0: {  	[dreg:$0x4] =	wrdreg $0x9  }
0xb1: {  	_ =	task.clear_ibuf [dreg:s7], $0x5FFFF;
	_ =	strace $0x90000046  }
0xb2: {  	s29 =	simm.s32 $0x9;
	_ =	strace $0x80000048  }
0xb3: {  	_ =	swait.ge [sflag:s29], $0x1  }
0xb4: {  	[sflag:s29] =	ssyncadd.s32 $0xFFFFFFFF  }
0xb5: {  	_ =	strace $0x90000048  }
0xb6: {  	_ =	sfence  }
0xb7: {  	s30 =	sld [smem:$0x0];
	_ =	sdelay $0x2  }
0xb8: {  	s31 =	sshll.u32 s1, $0xD;
	s1 =	sshrl.u32 s1, $0x2  }
0xb9: {  	s3 =	sand.u32 $0x4000, s31;
	s1 =	sadd.s32 s1, s30  }
0xba: {  	s0 =	sor.u32 s3, s0;
	s1 =	sshll.u32 s1, $0x11  }
0xbb: {  	s0 =	sor.u32 s1, s0  }
0xbc: {  	s0 =	sadd.s32 $0x8F2B, s0  }
0xbd: {  	[sflag:s0] =	ssyncadd.remote.s32 $0x1  }
0xbe: {  	_ =	sfence.sel $0xFFFF  }
0xbf: {  	[dreg:$0x0] =	wrdreg $0xFFFFFFFF;
	(pc) =	sbr.abs _section_cstart, $3  }
0xc0: {  	[dreg:$0x1] =	wrdreg $0xFFFFFFFF  }
0xc1: {  	_ =	task.clear_ibuf [dreg:s7], $0x2FFFF;
	_ =	strace $0x9FFFFFFF  }
0xc2: {  	(tm) =	ssettm $0x7FFFFFFF  }
0xc3: {  	_ =	shalt  }
tec
execute0_lowered:
.L_overlay_start_1:
0x0: {  	(tag) =	ssettag $0x1  }
0x1: {  	s0 =	rddreg [dreg:$0x0]  }
0x2: {  	s1 =	rddreg [dreg:$0x1]  }
0x3: {  	s3 =	srdreg.scid;
	s2 =	simm.s32 $0x0;
	s9 =	stileid.u32  }
0x4: {  	s10 =	simm.s32 $0x38;
	s11 =	simm.s32 $0x7000;
	s12 =	simm.s32 $0x8C00  }
0x5: {  	s14 =	simm.s32 $0xA800;
	s16 =	simm.s32 $0xC400;
	s18 =	simm.s32 $0xE000  }
0x6: {  	s28 =	simm.s32 $0x3;
	s29 =	simm.s32 $0x4;
	s30 =	simm.s32 $0x5  }
0x7: {  	s31 =	simm.s32 $0x7;
	s15 =	simm.s32 $0xB;
	s17 =	simm.s32 $0xC  }
0x8: {  	s20 =	simm.s32 $0xE;
	s21 =	simm.s32 $0xF;
	s4 =	sand.u32 $0x1, s3  }
0x9: {  	[smem:$0x7FF] =	sst s2;
	s22 =	sshll.u32 s9, $0xA;
	s3 =	sadd.s32 $0xF43000, s1  }
0xa: {  	s1 =	sadd.s32 $0xC00, s1;
	s23 =	smul.u32 $0xE0000, s9;
	s5 =	sshll.u32 s4, $0x9  }
0xb: {  	s6 =	ssub.s32 $0x2, s4;
	s24 =	smul.u32 $0x70000, s4;
	s5 =	sor.u32 s5, s22  }
0xc: {  	_ =	strace $0x80000047;
	s8 =	sshrl.u32 s6, $0x1;
	s7 =	smul.u32 $0x380, s5  }
0xd: {  	s4 =	simm.s32 $0x0;
	s5 =	smul.u32 $0x7, s5;
	s6 =	ssub.s32 s6, s8  }
0xe: {  	s22 =	simm.s32 $0x11800;
	s26 =	smax.u32 s6, $0x1;
	s7 =	sadd.s32 s7, s1  }
.Ltmp0:
0xf: {  	s0 =	sadd.s32 s0, s5;
	[dreg:$0x5] =	wrdreg s26;
	(pc) =	sbr.rel .LBB2_1-.Ltmp0, $4  }
0x10: {  	s1 =	sadd.s32 s23, s1;
	s26 =	simm.s32 $0x2;
	s23 =	simm.s32 $0x10  }
0x11: {  	[dreg:$0x3] =	wrdreg s0;
	s5 =	sadd.s32 $0x6F580, s7;
	s25 =	sadd.s32 $0x6FC80, s7  }
0x12: {  	s0 =	sadd.s32 s24, s1;
	s24 =	simm.s32 $0x13400;
	[dreg:$0x4] =	wrdreg s25  }
0x13: {  	[dreg:$0x6] =	wrdreg s0;
	s25 =	simm.s32 $0x1;
	s0 =	simm.s32 $0x8  }
.LBB2_4:
0x14: {  	_ =	swait.ge [sflag:s0], $0x1C00  }
0x15: {  	[sflag:s0] =	ssyncset.done $0x0  }
0x16: {  	s8 =	simm.s32 $0x9;
	s1 =	rddreg [dreg:$0x4];
	[sflag:s0] =	ssyncadd.s32 $0xFFFFE400  }
0x17: {  	[hbm4b:s1+s2] =	stream.linear.scatter [tilespmem:s24], [sflag:$0x10], $0x1C00, $0x38;
	[tilespmem:$0x15000] =	vst v63  }
0x18: {  	_ =	swait.ge [sflag:s8], $0x1C00  }
0x19: {  	[sflag:s8] =	ssyncset.done $0x0  }
0x1a: {  	s9 =	simm.s32 $0xA;
	[sflag:s8] =	ssyncadd.s32 $0xFFFFE400  }
0x1b: {  	_ =	swait.ge [sflag:s9], $0x1C00  }
0x1c: {  	[sflag:s9] =	ssyncset.done $0x0  }
0x1d: {  	[sflag:s9] =	ssyncadd.s32 $0xFFFFE400  }
0x1e: {  	_ =	swait.ge [sflag:s15], $0x1C00  }
0x1f: {  	[sflag:s15] =	ssyncset.done $0x0  }
0x20: {  	[sflag:s15] =	ssyncadd.s32 $0xFFFFE400  }
0x21: {  	_ =	swait.ge [sflag:s17], $0x1C00  }
0x22: {  	[sflag:s17] =	ssyncset.done $0x0  }
0x23: {  	s13 =	simm.s32 $0xD;
	[sflag:s17] =	ssyncadd.s32 $0xFFFFE400  }
0x24: {  	_ =	swait.ge [sflag:s13], $0x1C00  }
0x25: {  	[sflag:s13] =	ssyncset.done $0x0  }
0x26: {  	[sflag:s13] =	ssyncadd.s32 $0xFFFFE400  }
0x27: {  	_ =	swait.ge [sflag:s20], $0x1C00  }
0x28: {  	[sflag:s20] =	ssyncset.done $0x0  }
0x29: {  	[sflag:s20] =	ssyncadd.s32 $0xFFFFE400  }
0x2a: {  	_ =	swait.ge [sflag:s21], $0x1C00  }
0x2b: {  	[sflag:s21] =	ssyncset.done $0x0  }
0x2c: {  	[sflag:s21] =	ssyncadd.s32 $0xFFFFE400  }
0x2d: {  	_ =	swait.ge [sflag:s23], $0x1C00  }
0x2e: {  	s4 =	sadd.s32 $0x1, s4;
	s19 =	rddreg [dreg:$0x5]  }
0x2f: {  	p0 =	sne.s32 s4, s19  }
.Ltmp1:
0x30: {  	_ = 	snop;
	(pc) =	sbr.rel @!p0 .LBB2_5-.Ltmp1, $3  }
0x31: {  	_ =	sdelay $0x1  }
0x32: {  	[sflag:s23] =	ssyncset.done $0x0  }
0x33: {  	[sflag:s23] =	ssyncadd.s32 $0xFFFFE400  }
.LBB2_1:
0x34: {  	s1 =	rddreg [dreg:$0x3];
	s19 =	simm.s32 $0x11  }
0x35: {  	[tilespmem:s2], [sflag:$0x11] =	stream.linear.gather [hbm4b:s1+s2], $0x7000, $0x38;
	[tilespmem:$0x15000] =	vst v63  }
0x36: {  	_ =	swait.ge [sflag:s19], $0x7000  }
0x37: {  	[sflag:s19] =	ssyncset.done $0x0  }
0x38: {  	[sflag:s19] =	ssyncadd.s32 $0xFFFF9000  }
0x39: {  	[tilespmem:s11], [sflag:$0x1] =	stream.indirect.gather [hbm4b:s3+s10], $0x80, s2, s10, $0xb8;
	[tilespmem:$0x15000] =	vst v63  }
0x3a: {  	_ = 	snop  }
0x3b: {  	[tilespmem:s12], [sflag:$0x2] =	stream.indirect.gather [hbm4b:s3+s10], $0x80, s10, s10, $0xb8;
	[tilespmem:$0x15000] =	vst v63  }
0x3c: {  	s6 =	simm.s32 $0x70  }
0x3d: {  	[tilespmem:s14], [sflag:$0x3] =	stream.indirect.gather [hbm4b:s3+s10], $0x80, s6, s10, $0xb8;
	[tilespmem:$0x15000] =	vst v63  }
0x3e: {  	s7 =	simm.s32 $0xA8  }
0x3f: {  	[tilespmem:s16], [sflag:$0x4] =	stream.indirect.gather [hbm4b:s3+s10], $0x80, s7, s10, $0xb8;
	[tilespmem:$0x15000] =	vst v63  }
0x40: {  	s8 =	simm.s32 $0xE0  }
0x41: {  	[tilespmem:s18], [sflag:$0x5] =	stream.indirect.gather [hbm4b:s3+s10], $0x80, s8, s10, $0xb8;
	[tilespmem:$0x15000] =	vst v63  }
0x42: {  	s9 =	simm.s32 $0x118;
	s6 =	simm.s32 $0xFC00  }
0x43: {  	[tilespmem:s6], [sflag:$0x6] =	stream.indirect.gather [hbm4b:s3+s10], $0x80, s9, s10, $0xb8;
	[tilespmem:$0x15000] =	vst v63  }
0x44: {  	s13 =	simm.s32 $0x150  }
0x45: {  	[tilespmem:s22], [sflag:$0x7] =	stream.indirect.gather [hbm4b:s3+s10], $0x80, s13, s10, $0xb8;
	[tilespmem:$0x15000] =	vst v63  }
0x46: {  	s19 =	simm.s32 $0x188;
	s7 =	simm.s32 $0x0;
	s8 =	rddreg [dreg:$0x6]  }
0x47: {  	[tilespmem:s24], [sflag:$0x8] =	stream.indirect.gather [hbm4b:s3+s10], $0x80, s19, s10, $0xb8;
	[tilespmem:$0x15000] =	vst v63  }
.LBB2_2:
0x48: {  	_ =	swait.ge [sflag:s25], $0x1C00  }
0x49: {  	p0 =	seq.s32 s7, $0x0;
	[sflag:s25] =	ssyncset.done $0x0  }
0x4a: {  	s6 =	simm.s32 @!p0 $0xD;
	[sflag:s25] =	ssyncadd.s32 $0xFFFFE400  }
0x4b: {  	[hbm4b:s8+s2] =	stream.linear.scatter [tilespmem:s11], [sflag:$0x9], $0x1C00, $0x38;
	[tilespmem:$0x15000] =	vst v63  }
0x4c: {  	_ =	swait.ge @!p0 [sflag:s6], $0x1C00  }
0x4d: {  	[sflag:s6] =	ssyncset.done @!p0 $0x0  }
0x4e: {  	[sflag:s6] =	ssyncadd.s32 @!p0 $0xFFFFE400;
	s6 =	sshra.s32 @!p0 s7, $0x2  }
0x4f: {  	s1 =	simm.s32 @!p0 $0x38;
	s13 =	simm.s32 @!p0 $0xE000;
	s9 =	sadd.s32 @!p0 $0xE0, s6  }
0x50: {  	[tilespmem:s13], [sflag:$0x5] =	stream.indirect.gather @!p0 [hbm4b:s3+s1], $0x80, s9, s1, $0xb8;
	[tilespmem:$0x15000] =	vst v63  }
0x51: {  	_ =	swait.ge [sflag:s26], $0x1C00  }
0x52: {  	[sflag:s26] =	ssyncset.done $0x0  }
0x53: {  	s19 =	sadd.s32 $0x380, s8;
	s9 =	simm.s32 @!p0 $0xE;
	[sflag:s26] =	ssyncadd.s32 $0xFFFFE400  }
0x54: {  	[hbm4b:s19+s2] =	stream.linear.scatter [tilespmem:s12], [sflag:$0xA], $0x1C00, $0x38;
	[tilespmem:$0x15000] =	vst v63  }
0x55: {  	_ =	swait.ge @!p0 [sflag:s9], $0x1C00  }
0x56: {  	[sflag:s9] =	ssyncset.done @!p0 $0x0  }
0x57: {  	s13 =	simm.s32 @!p0 $0xFC00;
	[sflag:s9] =	ssyncadd.s32 @!p0 $0xFFFFE400;
	s9 =	sadd.s32 @!p0 $0x118, s6  }
0x58: {  	[tilespmem:s13], [sflag:$0x6] =	stream.indirect.gather @!p0 [hbm4b:s3+s1], $0x80, s9, s1, $0xb8;
	[tilespmem:$0x15000] =	vst v63  }
0x59: {  	_ =	swait.ge [sflag:s28], $0x1C00  }
0x5a: {  	[sflag:s28] =	ssyncset.done $0x0  }
0x5b: {  	s13 =	sadd.s32 $0x700, s8;
	s9 =	simm.s32 @!p0 $0xF;
	[sflag:s28] =	ssyncadd.s32 $0xFFFFE400  }
0x5c: {  	[hbm4b:s13+s2] =	stream.linear.scatter [tilespmem:s14], [sflag:$0xB], $0x1C00, $0x38;
	[tilespmem:$0x15000] =	vst v63  }
0x5d: {  	_ =	swait.ge @!p0 [sflag:s9], $0x1C00  }
0x5e: {  	[sflag:s9] =	ssyncset.done @!p0 $0x0  }
0x5f: {  	s13 =	simm.s32 @!p0 $0x11800;
	[sflag:s9] =	ssyncadd.s32 @!p0 $0xFFFFE400;
	s9 =	sadd.s32 @!p0 $0x150, s6  }
0x60: {  	[tilespmem:s13], [sflag:$0x7] =	stream.indirect.gather @!p0 [hbm4b:s3+s1], $0x80, s9, s1, $0xb8;
	[tilespmem:$0x15000] =	vst v63  }
0x61: {  	_ =	swait.ge [sflag:s29], $0x1C00  }
0x62: {  	[sflag:s29] =	ssyncset.done $0x0  }
0x63: {  	s19 =	sadd.s32 $0xA80, s8;
	s9 =	simm.s32 @!p0 $0x10;
	[sflag:s29] =	ssyncadd.s32 $0xFFFFE400  }
0x64: {  	[hbm4b:s19+s2] =	stream.linear.scatter [tilespmem:s16], [sflag:$0xC], $0x1C00, $0x38;
	[tilespmem:$0x15000] =	vst v63  }
0x65: {  	_ =	swait.ge @!p0 [sflag:s9], $0x1C00  }
0x66: {  	[sflag:s9] =	ssyncset.done @!p0 $0x0  }
0x67: {  	s6 =	sadd.s32 @!p0 $0x188, s6;
	[sflag:s9] =	ssyncadd.s32 @!p0 $0xFFFFE400;
	s9 =	simm.s32 @!p0 $0x13400  }
0x68: {  	[tilespmem:s9], [sflag:$0x8] =	stream.indirect.gather @!p0 [hbm4b:s3+s1], $0x80, s6, s1, $0xb8;
	[tilespmem:$0x15000] =	vst v63  }
0x69: {  	_ =	swait.ge [sflag:s30], $0x1C00  }
0x6a: {  	p0 =	seq.s32 s7, $0x1B900;
	[sflag:s30] =	ssyncset.done $0x0  }
0x6b: {  	s13 =	sadd.s32 $0xE00, s8;
	s1 =	simm.s32 @p0 $0x6;
	[sflag:s30] =	ssyncadd.s32 $0xFFFFE400  }
0x6c: {  	[hbm4b:s13+s2] =	stream.linear.scatter [tilespmem:s18], [sflag:$0xD], $0x1C00, $0x38;
	[tilespmem:$0x15000] =	vst v63  }
0x6d: {  	_ =	swait.ge @p0 [sflag:s1], $0x1C00  }
0x6e: {  	[sflag:s1] =	ssyncset.done @p0 $0x0  }
0x6f: {  	s6 =	simm.s32 @p0 $0xFC00;
	[sflag:s1] =	ssyncadd.s32 @p0 $0xFFFFE400;
	s1 =	simm.s32 @p0 $0x0  }
0x70: {  	[hbm4b:s5+s1] =	stream.linear.scatter @p0 [tilespmem:s6], [sflag:$0xE], $0x1C00, $0x38;
	[tilespmem:$0x15000] =	vst v63  }
0x71: {  	s1 =	simm.s32 @!p0 $0x9  }
0x72: {  	_ =	swait.ge @!p0 [sflag:s1], $0x1C00  }
0x73: {  	[sflag:s1] =	ssyncset.done @!p0 $0x0  }
0x74: {  	[sflag:s1] =	ssyncadd.s32 @!p0 $0xFFFFE400;
	s1 =	sshra.s32 @!p0 s7, $0x2  }
0x75: {  	s9 =	simm.s32 @!p0 $0x38;
	s13 =	simm.s32 @!p0 $0x7000;
	s6 =	sadd.s32 @!p0 $0x1C0, s1  }
0x76: {  	[tilespmem:s13], [sflag:$0x1] =	stream.indirect.gather @!p0 [hbm4b:s3+s9], $0x80, s6, s9, $0xb8;
	[tilespmem:$0x15000] =	vst v63  }
0x77: {  	s6 =	simm.s32 @!p0 $0x6  }
0x78: {  	_ =	swait.ge @!p0 [sflag:s6], $0x1C00  }
0x79: {  	s19 =	simm.s32 @!p0 $0xFC00;
	[sflag:s6] =	ssyncset.done @!p0 $0x0  }
0x7a: {  	s13 =	simm.s32 @!p0 $0x0;
	[sflag:s6] =	ssyncadd.s32 @!p0 $0xFFFFE400;
	s6 =	sadd.s32 @!p0 $0x1180, s8  }
0x7b: {  	[hbm4b:s6+s13] =	stream.linear.scatter @!p0 [tilespmem:s19], [sflag:$0xE], $0x1C00, $0x38;
	[tilespmem:$0x15000] =	vst v63  }
0x7c: {  	s6 =	simm.s32 @!p0 $0xA  }
0x7d: {  	_ =	swait.ge @!p0 [sflag:s6], $0x1C00  }
0x7e: {  	[sflag:s6] =	ssyncset.done @!p0 $0x0  }
0x7f: {  	s1 =	sadd.s32 @!p0 $0x1F8, s1;
	[sflag:s6] =	ssyncadd.s32 @!p0 $0xFFFFE400;
	s6 =	simm.s32 @!p0 $0x8C00  }
0x80: {  	[tilespmem:s6], [sflag:$0x2] =	stream.indirect.gather @!p0 [hbm4b:s3+s9], $0x80, s1, s9, $0xb8;
	[tilespmem:$0x15000] =	vst v63  }
.Ltmp2:
0x81: {  	_ = 	snop;
	(pc) =	sbr.rel @p0 .LBB2_4-.Ltmp2, $4  }
0x82: {  	_ =	swait.ge [sflag:s31], $0x1C00  }
0x83: {  	[sflag:s31] =	ssyncset.done $0x0  }
0x84: {  	s19 =	sadd.s32 $0x1500, s8;
	[sflag:s31] =	ssyncadd.s32 $0xFFFFE400  }
0x85: {  	[hbm4b:s19+s2] =	stream.linear.scatter [tilespmem:s22], [sflag:$0xF], $0x1C00, $0x38;
	[tilespmem:$0x15000] =	vst v63  }
0x86: {  	_ =	swait.ge [sflag:s15], $0x1C00  }
0x87: {  	s1 =	sshra.s32 s7, $0x2;
	[sflag:s15] =	ssyncset.done $0x0  }
0x88: {  	s6 =	sadd.s32 $0x230, s1;
	[sflag:s15] =	ssyncadd.s32 $0xFFFFE400  }
0x89: {  	[tilespmem:s14], [sflag:$0x3] =	stream.indirect.gather [hbm4b:s3+s10], $0x80, s6, s10, $0xb8;
	[tilespmem:$0x15000] =	vst v63  }
0x8a: {  	_ =	swait.ge [sflag:s0], $0x1C00  }
0x8b: {  	[sflag:s0] =	ssyncset.done $0x0  }
0x8c: {  	s19 =	sadd.s32 $0x1880, s8;
	[sflag:s0] =	ssyncadd.s32 $0xFFFFE400  }
0x8d: {  	[hbm4b:s19+s2] =	stream.linear.scatter [tilespmem:s24], [sflag:$0x10], $0x1C00, $0x38;
	[tilespmem:$0x15000] =	vst v63  }
.Ltmp3:
0x8e: {  	_ = 	snop;
	(pc) =	sbr.rel .LBB2_2-.Ltmp3, $4  }
0x8f: {  	_ =	swait.ge [sflag:s17], $0x1C00  }
0x90: {  	s7 =	sadd.s32 $0x700, s7;
	[sflag:s17] =	ssyncset.done $0x0  }
0x91: {  	s8 =	sadd.s32 $0x1C00, s8;
	s1 =	sadd.s32 $0x268, s1;
	[sflag:s17] =	ssyncadd.s32 $0xFFFFE400  }
0x92: {  	[tilespmem:s16], [sflag:$0x4] =	stream.indirect.gather [hbm4b:s3+s10], $0x80, s1, s10, $0xb8;
	[tilespmem:$0x15000] =	vst v63  }
.LBB2_5:
0x93: {  	_ =	sfence.sel $0x180000  }
0x94: {  	[bflag:$0x0] =	sbarrier.arrive $0xFFFF  }
0x95: {  	_ =	strace $0x90000047  }
0x96: {  	s0 =	stileid.u32;
	[bflag:$0x2] =	sbarrier.arrive $0xFFFF  }
0x97: {  	p0 =	sne.s32 s0, $0x0;
	s0 =	rddreg [dreg:$0x2]  }
0x98: {  	s0 =	sadd.s32 @!p0 $0x100000, s0  }
0x99: {  	[sflag:s0] =	ssyncadd.tile.s32 @!p0 $0x1;
	_ =	shalt  }
.Lfunc_end2:
_tile_overlayer_lowered:
.L_overlay_start_2:
0x9a: {  	(tag) =	ssettag $0x2  }
0x9b: {  	s0 =	rddreg [dreg:$0x0];
	s2 =	stileid.u32  }
0x9c: {  	s1 =	rddreg [dreg:$0x1];
	p0 =	sne.s32 s2, $0x0  }
0x9d: {  	s3 =	rddreg [dreg:$0x2];
	[bflag:$0x3] =	sbarrier.arrive $0xFFFF;
	s2 =	simm.s32 @!p0 $0x1C11  }
0x9e: {  	[timem:s3], [sflag:s2] =	dma.local @!p0 [hbm:s0], s1  }
0x9f: {  	s0 =	simm.s32 @!p0 $0x11  }
0xa0: {  	_ =	swait.ge @!p0 [sflag:s0], s1  }
0xa1: {  	s1 =	ssub.s32 @!p0 $0x0, s1;
	[sflag:s0] =	ssyncset.done @!p0 $0x0  }
0xa2: {  	[sflag:s0] =	ssyncadd.s32 @!p0 s1  }
0xa3: {  	[bflag:$0x3] =	sbarrier.arrive $0xFFFF  }
0xa4: {  	_ =	shalt  }

// kernel: sparse-core-data-format-call.cloned.1.call-start
scs
called_computation_lowered:
.L_overlay_start_0:
0x0: {  	s2 =	sld [smem:$0x3FD9]  }
0x1: {  	s3 =	sld [smem:$0x3FFE];
	_ =	sdelay $0x1  }
0x2: {  	s1 =	srdreg.scid  }
0x3: {  	s0 =	sand.u32 $0x1, s1  }
0x4: {  	s18 =	sshll.u32 s0, $0xA;
	s2 =	sadd.s32 s3, s2  }
0x5: {  	s2 =	sadd.s32 s2, s18  }
0x6: {  	[smem:$0x3FC6] =	sst s2  }
0x7: {  	_ = 	snop  }
0x8: {  	s2 =	sld [smem:$0x3FD0];
	(tm) =	ssettm $0x1  }
0x9: {  	s19 =	sld [smem:$0x3FFB];
	_ =	sdelay $0x3  }
0xa: {  	_ =	strace s19  }
0xb: {  	s3 =	sld [smem:$0x3FFC];
	_ =	sdelay $0x3  }
0xc: {  	_ =	strace s3  }
0xd: {  	s3 =	sld [smem:$0x3FFD];
	_ =	sdelay $0x3  }
0xe: {  	_ =	strace s3  }
0xf: {  	_ =	strace $0x8FFFFFFF  }
0x10: {  	s20 =	sld [smem:$0x3FDB];
	_ =	sdelay $0x1  }
0x11: {  	s4 =	simm.s32 $_scs_section_size  }
0x12: {  	s5 =	simm.s32 $_size__tile_overlayer_lowered;
	s6 =	simm.s32 $_tile_overlayer_lowered  }
0x13: {  	s23 =	simm.s32 $0x1BFF;
	s22 =	sshll.u32 s6, $0x1;
	s3 =	sadd.s32 s4, s20  }
0x14: {  	s7 =	simm.s32 $0x0;
	s21 =	sshll.u32 s5, $0x1;
	s5 =	sadd.s32 s22, s3  }
0x15: {  	[timem:s7], [sflag:s23] =	dma.local [hbm:s5], s21  }
0x16: {  	_ =	swait.ge [sflag:s23], s21  }
0x17: {  	s4 =	ssub.s32 $0x0, s21;
	[sflag:s23] =	ssyncset.done $0x0  }
0x18: {  	[sflag:s23] =	ssyncadd.s32 s4;
	_ =	sdelay $0x1  }
0x19: {  	s24 =	simm.s32 $0x1B8B  }
0x1a: {  	_ =	swait.ge [sflag:s24], $0x1  }
0x1b: {  	[sflag:s24] =	ssyncset.done $0x0  }
0x1c: {  	s26 =	simm.s32 $0x1B8E;
	s25 =	sld [smem:$0x3FFE];
	[sflag:s24] =	ssyncadd.s32 $0xFFFFFFFF  }
0x1d: {  	s27 =	simm.s32 $execute0_lowered;
	[smem:$0x3FD2] =	sst s26  }
0x1e: {  	s5 =	sshll.u32 s27, $0x1;
	_ =	strace $0x80000049;
	[dreg:$0x1] =	wrdreg $0xFFFFFFFF  }
0x1f: {  	s28 =	simm.s32 $_size_execute0_lowered;
	s3 =	sadd.s32 s3, s5;
	[dreg:$0x0] =	wrdreg $0x0  }
0x20: {  	s5 =	sshll.u32 s28, $0x1;
	[dreg:$0x2] =	wrdreg s3  }
0x21: {  	[dreg:$0x3] =	wrdreg s5  }
0x22: {  	[dreg:$0x4] =	wrdreg $0xC0  }
0x23: {  	_ =	task [dreg:s7], $0x5FFFF  }
0x24: {  	[dreg:$0x1] =	wrdreg $0xFFFFFFFF  }
0x25: {  	[dreg:$0x0] =	wrdreg $0x60  }
0x26: {  	[dreg:$0x2] =	wrdreg s25  }
0x27: {  	[dreg:$0x3] =	wrdreg s2  }
0x28: {  	[dreg:$0x4] =	wrdreg $0x9  }
0x29: {  	_ =	task.clear_ibuf [dreg:s7], $0x5FFFF;
	_ =	strace $0x90000049  }
0x2a: {  	s29 =	simm.s32 $0x9;
	_ =	strace $0x8000004B  }
0x2b: {  	_ =	swait.ge [sflag:s29], $0x1  }
0x2c: {  	[sflag:s29] =	ssyncadd.s32 $0xFFFFFFFF  }
0x2d: {  	_ =	strace $0x9000004B  }
0x2e: {  	_ =	sfence  }
0x2f: {  	s30 =	sld [smem:$0x0];
	_ =	sdelay $0x2  }
0x30: {  	s31 =	sshll.u32 s1, $0xD;
	s1 =	sshrl.u32 s1, $0x2  }
0x31: {  	s3 =	sand.u32 $0x4000, s31;
	s1 =	sadd.s32 s1, s30  }
0x32: {  	s0 =	sor.u32 s3, s0;
	s1 =	sshll.u32 s1, $0x11  }
0x33: {  	s0 =	sor.u32 s1, s0  }
0x34: {  	s0 =	sadd.s32 $0x8F2B, s0  }
0x35: {  	[sflag:s0] =	ssyncadd.remote.s32 $0x1  }
0x36: {  	_ =	sfence.sel $0xFFFF  }
0x37: {  	[dreg:$0x0] =	wrdreg $0xFFFFFFFF;
	(pc) =	sbr.abs _section_cstart, $3  }
0x38: {  	[dreg:$0x1] =	wrdreg $0xFFFFFFFF  }
0x39: {  	_ =	task.clear_ibuf [dreg:s7], $0x2FFFF;
	_ =	strace $0x9FFFFFFF  }
0x3a: {  	(tm) =	ssettm $0x7FFFFFFF  }
0x3b: {  	_ =	shalt  }
tec
execute0_lowered:
.L_overlay_start_1:
0x0: {  	(tag) =	ssettag $0x1  }
0x1: {  	s0 =	srdreg.scid  }
0x2: {  	s1 =	sshll.u32 s0, $0x4  }
0x3: {  	s0 =	stileid.u32;
	s1 =	sand.u32 $0x10, s1  }
0x4: {  	s1 =	sor.u32 s0, s1  }
0x5: {  	s6 =	rddreg [dreg:$0x0];
	s4 =	simm.s32 $0x1;
	s2 =	sshll.u32 s1, $0x7  }
0x6: {  	s7 =	simm.s32 $0x2;
	s12 =	simm.s32 $0x0;
	s1 =	ssub.s32 $0x4000, s2  }
0x7: {  	s8 =	simm.s32 $0x20000;
	s13 =	simm.s32 $0x0;
	s3 =	sand.u32 $0xF80, s1  }
0x8: {  	s9 =	simm.s32 $0x0;
	s5 =	sshrl.u32 s1, $0xC;
	p0 =	sne.s32 s3, $0x0  }
.Ltmp0:
0x9: {  	s1 =	rddreg [dreg:$0x2];
	s4 =	simm.s32 @!p0 $0x0;
	(pc) =	sbr.rel .LBB1_1-.Ltmp0, $4  }
0xa: {  	s11 =	simm.s32 $0x0;
	s3 =	rddreg [dreg:$0x1];
	s5 =	sadd.s32 s4, s5  }
0xb: {  	_ =	strace $0x8000004A;
	s4 =	simm.s32 $0x1;
	s5 =	smul.u32 $0x32, s5  }
0xc: {  	s6 =	sadd.s32 $0xC00, s6;
	s10 =	smov.u32 s2;
	[sflag:s4] =	ssyncpa.u1 $0x0  }
0xd: {  	p0 =	por $0x0, $0x0;
	[sflag:s7] =	ssyncpa.u1 $0x0;
	s7 =	sor.u32 $0x1, s5  }
.LBB1_4:
0xe: {  	s16 =	sshll.u32 s13, $0x3;
	s17 =	sand.u32 $0x78, s13  }
0xf: {  	s30 =	sand.u32 $0x1F800, s13;
	s12 =	sshll.u32 s12, $0x11;
	s16 =	sand.u32 $0x3C00, s16  }
0x10: {  	[tilespmem:s15+$0x810 ss:$0x81] =	vst.msk $0xffff, v2;
	s31 =	sand.u32 $0x7, s13;
	s16 =	sor.u32 s17, s16;
	s17 =	sadd.s32 s3, s30  }
0x11: {  	[tilespmem:s15+$0x1020 ss:$0x81] =	vst.msk $0xffff, v0;
	s13 =	sshll.u32 s31, $0x12;
	s12 =	sadd.s32 s12, s17;
	s16 =	sshrl.u32 s16, $0x3  }
0x12: {  	[tilespmem:s15+$0x0 ss:$0x81] =	vst.msk $0xffff, v1;
	s13 =	sor.u32 $0x400, s13;
	s12 =	sadd.s32 s16, s12  }
0x13: {  	[hbm4b:s12+s13] =	stream.strided.scatter [tilespmem:s14], [sflag:$0x2], $0x2000, s8, s13, $0x20;
	[tilespmem:$0x8080] =	vst v63  }
.LBB1_5:
0x14: {  	s14 =	sadd.s32 $0x1, s9  }
0x15: {  	s12 =	sadd.s32 $0x1000, s10;
	s16 =	smov.u32 s10;
	p2 =	sgt.s32 s14, $0x31  }
0x16: {  	s16 =	smov.u32 @p2 s12  }
0x17: {  	s14 =	simm.s32 @p2 $0x0;
	p2 =	sgt.s32 s16, $0x3FFF  }
0x18: {  	s16 =	smov.u32 @p2 s2;
	p2 =	sne.s32 s11, s7  }
.Ltmp1:
0x19: {  	p1 =	slt.u32 s11, $0x2;
	(pc) =	sbr.rel @!p2 .LBB1_6-.Ltmp1, $4  }
0x1a: {  	s15 =	simm.s32 @!p1 $0x2  }
0x1b: {  	s13 =	smov.u32 s10;
	p0 =	por !p0, !p0;
	_ =	swait.ge @!p1 [sflag:s15], $0x2000  }
0x1c: {  	s12 =	smov.u32 s9;
	[sflag:s15] =	ssyncset.done @!p1 $0x0;
	s9 =	smov.u32 s14  }
0x1d: {  	s11 =	sadd.s32 $0x1, s11;
	[sflag:s15] =	ssyncadd.s32 @!p1 $0xFFFFE000;
	s10 =	smov.u32 s16  }
.LBB1_1:
0x1e: {  	p1 =	sge.u32 s11, s5  }
0x1f: {  	s14 =	sand.u32 @!p1 $0x1FFFFFF, s9  }
0x20: {  	s15 =	smulhi.u32 @!p1 $0x4924925, s14;
	_ =	sdelay $0x1  }
0x21: {  	s15 =	smul.u32 @!p1 $0x38, s15  }
0x22: {  	s16 =	sxor.u32 @!p1 $0xFFFFFFFF, s11;
	s17 =	smul.u32 @!p1 $0x380, s10  }
0x23: {  	s31 =	sadd.s32 $0xFFFFFFFF, s11;
	s16 =	sshll.u32 @!p1 s16, $0xD;
	s14 =	ssub.s32 @!p1 s14, s15  }
0x24: {  	s15 =	sand.u32 @!p1 $0x2000, s16;
	s16 =	sadd.s32 @!p1 s6, s17;
	s14 =	sshll.u32 @!p1 s14, $0x4  }
0x25: {  	s17 =	simm.s32 @!p1 $0x1C00;
	s14 =	sadd.s32 @!p1 s14, s16;
	s16 =	simm.s32 @!p1 $0x40  }
0x26: {  	[tilespmem:s15], [sflag:$0x1] =	stream.strided.gather @!p1 [hbm4b:s14+s16], $0x2000, s17, s16, $0x38;
	[tilespmem:$0x8080] =	vst v63  }
0x27: {  	p1 =	sge.u32 s31, s5  }
.Ltmp2:
0x28: {  	_ = 	snop;
	(pc) =	sbr.rel @p1 .LBB1_5-.Ltmp2, $1  }
0x29: {  	_ =	sdelay $0x3  }
0x2a: {  	s14 =	simm.s32 $0x1  }
0x2b: {  	_ =	swait.ge [sflag:s4], $0x2000;
	s14 =	simm.s32 @!p0 $0x0  }
0x2c: {  	[sflag:s4] =	ssyncset.done $0x0;
	s15 =	sshll.u32 s14, $0xD  }
0x2d: {  	[sflag:s4] =	ssyncadd.s32 $0xFFFFE000;
	s18 =	sor.u32 $0x20, s15  }
0x2e: {  	s14 =	smul.u32 $0x8100, s14;
	v3 =	vld [tilespmem:s18+$0x10]  }
0x2f: {  	s30 =	sand.u32 $0x1, s11;
	v2 =	vld [tilespmem:s18+$0xFFFFFFF0]  }
0x30: {  	s15 =	smul.u32 $0x8100, s30;
	s14 =	sshrl.u32 s14, $0x2;
	v0 =	vld [tilespmem:s18+$0x0]  }
0x31: {  	v1 =	vld [tilespmem:s18+$0xFFFFFFE0];
	s16 =	sor.u32 $0x4000, s14  }
0x32: {  	s31 =	sshrl.u32 s15, $0x2;
	s15 =	sadd.s32 $0x0, s16  }
0x33: {  	s17 =	simm.s32 $0x4;
	s18 =	sadd.s32 $0x40, s18;
	s14 =	sor.u32 $0x4000, s31;
	[tilespmem:s15+$0x1830 ss:$0x81] =	vst.msk $0xffff, v3  }
.LBB1_3:
0x34: {  	v3 =	vld [tilespmem:s18+$0x10];
	p1 =	sne.s32 s17, $0x1FC;
	[tilespmem:s15+$0x810 ss:$0x81] =	vst.msk $0xffff, v2;
	s19 =	smov.u32 s17;
	s17 =	sadd.s32 $0x4, s17  }
.Ltmp3:
0x35: {  	v2 =	vld [tilespmem:s18+$0xFFFFFFF0];
	[tilespmem:s15+$0x1020 ss:$0x81] =	vst.msk $0xffff, v0;
	(pc) =	sbr.rel @p1 .LBB1_3-.Ltmp3, $4  }
0x36: {  	v0 =	vld [tilespmem:s18+$0x0];
	[tilespmem:s15+$0x0 ss:$0x81] =	vst.msk $0xffff, v1  }
0x37: {  	s15 =	sshra.s32 s19, $0x2;
	v1 =	vld [tilespmem:s18+$0xFFFFFFE0]  }
0x38: {  	s15 =	sadd.s32 s15, s16  }
0x39: {  	s18 =	sadd.s32 $0x40, s18;
	[tilespmem:s15+$0x1830 ss:$0x81] =	vst.msk $0xffff, v3  }
.Ltmp4:
0x3a: {  	_ = 	snop;
	(pc) =	sbr.rel .LBB1_4-.Ltmp4, $1  }
0x3b: {  	_ =	sdelay $0x3  }
.LBB1_6:
0x3c: {  	_ =	sfence.sel $0x180000  }
0x3d: {  	s2 =	simm.s32 $0x1;
	[bflag:$0x0] =	sbarrier.arrive $0xFFFF  }
0x3e: {  	s31 =	simm.s32 $0x2;
	[sflag:s2] =	ssyncpa.u1 $0x1  }
0x3f: {  	[sflag:s31] =	ssyncpa.u1 $0x1  }
0x40: {  	p0 =	sne.s32 s0, $0x0;
	_ =	strace $0x9000004A  }
0x41: {  	s0 =	sadd.s32 @!p0 $0x100000, s1;
	[bflag:$0x2] =	sbarrier.arrive $0xFFFF  }
0x42: {  	[sflag:s0] =	ssyncadd.tile.s32 @!p0 $0x1;
	_ =	shalt  }
.Lfunc_end1:
_tile_overlayer_lowered:
.L_overlay_start_2:
0x43: {  	(tag) =	ssettag $0x2  }
0x44: {  	s0 =	rddreg [dreg:$0x0];
	s2 =	stileid.u32  }
0x45: {  	s1 =	rddreg [dreg:$0x1];
	p0 =	sne.s32 s2, $0x0  }
0x46: {  	s3 =	rddreg [dreg:$0x2];
	[bflag:$0x3] =	sbarrier.arrive $0xFFFF;
	s2 =	simm.s32 @!p0 $0x1C01  }
0x47: {  	[timem:s3], [sflag:s2] =	dma.local @!p0 [hbm:s0], s1  }
0x48: {  	s0 =	simm.s32 @!p0 $0x1  }
0x49: {  	_ =	swait.ge @!p0 [sflag:s0], s1  }
0x4a: {  	s1 =	ssub.s32 @!p0 $0x0, s1;
	[sflag:s0] =	ssyncset.done @!p0 $0x0  }
0x4b: {  	[sflag:s0] =	ssyncadd.s32 @!p0 s1  }
0x4c: {  	[bflag:$0x3] =	sbarrier.arrive $0xFFFF  }
0x4d: {  	_ =	shalt  }

</sc_bundles>
